<compile_context>
chip_gen: v7x
topology: tpu7x:2x2x1
jax: 0.10.2.dev20260603
libtpu: 0.0.44.dev20260713+nightly
codegen_flags: <defaults>
</compile_context>

<pallas_src>
import jax
import jax.numpy as jnp
from jax import lax
from jax.experimental import pallas as pl
from jax.experimental.pallas import tpu as pltpu
from jax.experimental.pallas import tpu_sc as plsc

N = 256
E = 2048
HID = 128
MSG = 32
CAT = HID + MSG
OUT_F = 32
NPRED = 2
BUDGET = N * 10
QCAP = BUDGET + N + 16
NBR_SZ = 2 * E + 16
RP_SZ = 272
MS_ROWS = N + BUDGET
NSUB = 16
ZROWS = (MS_ROWS - N) // NSUB


def _enc_body(x_ref, w_ref, b_ref, o_ref):
    o_ref[...] = (
        jnp.dot(x_ref[...], w_ref[...], preferred_element_type=jnp.float32)
        + b_ref[...]
    )


def _dec_body(ff_ref, w_ref, b_ref, o_ref):
    x = ff_ref[...]
    for p in range(NPRED):
        o = jnp.dot(x, w_ref[p], preferred_element_type=jnp.float32) + b_ref[p]
        m = jnp.max(o, axis=-1, keepdims=True)
        e = o - m
        o_ref[p] = e - jnp.log(jnp.sum(jnp.exp(e), axis=-1, keepdims=True))


def _sc_body(pred0_hbm, fm_hbm, wns_hbm, wnm_hbm, wactb_hbm, nsb_hbm, nmb_hbm,
             nbr_hbm, rowptr_hbm, q0_hbm, scal_hbm, out_hbm,
             pred_v, ff_v, wnsl_v, wnm_v, wactb_v, nsb_v, nmb_v, nbr_v,
             rowptr_v, qpk_v, cat_v, msgbuf_v, nsg_v, nswr_v,
             scal_v, ta_v, msg_sp, ns_sh):
    wid = lax.axis_index("s")
    zf = jnp.zeros((16,), jnp.float32)
    lane0 = lax.iota(jnp.int32, 16) == 0

    def spl(i):
        return jnp.full((16,), i, jnp.int32)

    def sload(ref, i):
        return ref[pl.ds(i, 16)][0]

    pltpu.sync_copy(pred0_hbm, pred_v)
    pltpu.sync_copy(wnm_hbm, wnm_v)
    pltpu.sync_copy(wactb_hbm, wactb_v)
    pltpu.sync_copy(nsb_hbm, nsb_v)
    pltpu.sync_copy(nmb_hbm, nmb_v)
    pltpu.sync_copy(nbr_hbm, nbr_v)
    pltpu.sync_copy(rowptr_hbm, rowptr_v)
    pltpu.sync_copy(q0_hbm, qpk_v)
    pltpu.sync_copy(scal_hbm, scal_v)

    @pl.when(wid < 8)
    def _stage_ns_slice():
        pltpu.sync_copy(wns_hbm.at[pl.ds(wid * (CAT * 16), CAT * 16)], wnsl_v)

    @pl.when(wid == 0)
    def _stage_fm():
        pltpu.sync_copy(fm_hbm, msg_sp.at[pl.ds(0, N)])

    def zff(i, _):
        ff_v[pl.ds(i * 16, 16)] = zf
        return 0

    lax.fori_loop(0, N * HID // 16, zff, 0)

    def zta(i, _):
        ta_v[pl.ds(i * 16, 16)] = zf
        return 0

    lax.fori_loop(0, (N + 16) // 16, zta, 0)

    plsc.subcore_barrier()

    tail0 = sload(scal_v, 0)
    actb = sload(wactb_v, CAT)

    def cond(cy):
        head, tail, _ = cy
        return jnp.logical_and(head < tail, head < BUDGET)

    def body(cy):
        head, tail, mcount = cy
        tail_eff = jnp.minimum(tail, jnp.int32(BUDGET))
        win = qpk_v[pl.ds(head, 16)]
        nodes16 = win & jnp.int32(0xFFFF)
        ta16 = plsc.load_gather(ta_v, [nodes16])
        act16 = jnp.logical_not(ta16 > 1.0 - 1e-7)
        inrange = lax.iota(jnp.int32, 16) < (tail_eff - head)
        stop = jnp.logical_or(act16, jnp.logical_not(inrange))
        skip = plsc.all_reduce_ffs(stop)[0]
        head2 = head + skip
        process = skip < jnp.minimum(tail_eff - head, jnp.int32(16))

        def active(_):
            pk = qpk_v[pl.ds(head2, 16)][0]
            node = pk & jnp.int32(0xFFFF)
            ta_n = ta_v[pl.ds(node, 16)][0]
            mid = lax.shift_right_logical(pk, jnp.int32(16))
            base = sload(rowptr_v, node)
            dn = sload(rowptr_v, node + 1) - base
            pltpu.sync_copy(msg_sp.at[mid], msgbuf_v)
            for j in range(HID // 16):
                cat_v[pl.ds(j * 16, 16)] = pred_v[pl.ds(node * HID + j * 16, 16)]
            for j in range(MSG // 16):
                cat_v[pl.ds(HID + j * 16, 16)] = msgbuf_v[pl.ds(j * 16, 16)]

            acc = zf
            for j in range(CAT // 16):
                acc = acc + cat_v[pl.ds(j * 16, 16)] * wactb_v[pl.ds(j * 16, 16)]
            z = jnp.sum(acc) + actb
            sig = 1.0 / (1.0 + jnp.exp(jnp.full((16,), -z)))
            cand = sig[0]
            over = (ta_n + cand) > 1.0
            new_act = jnp.where(over, 1.0 - ta_n, cand)

            @pl.when(wid < 8)
            def _ns_slice():
                def ns_k(kk, a):
                    chunk = cat_v[pl.ds(kk * 16, 16)]
                    for u in range(16):
                        ck = jnp.take_along_axis(chunk, spl(u), axis=0, mode="promise_in_bounds")
                        a = a + ck * wnsl_v[pl.ds((kk * 16 + u) * 16, 16)]
                    return a

                a = lax.fori_loop(0, CAT // 16, ns_k, zf)
                nsj = jnp.maximum(a + nsb_v[pl.ds(wid * 16, 16)], 0.0)
                nswr_v[pl.ds(0, 16)] = nsj
                pltpu.sync_copy(nswr_v, ns_sh.at[pl.ds(wid * 16, 16)])

            plsc.subcore_barrier()

            pltpu.sync_copy(ns_sh, nsg_v)
            navec = jnp.full((16,), new_act)
            for j in range(HID // 16):
                nsj = nsg_v[pl.ds(j * 16, 16)]
                off = node * HID + j * 16
                pred_v[pl.ds(off, 16)] = nsj
                ff_v[pl.ds(off, 16)] = ff_v[pl.ds(off, 16)] + nsj * navec

            @pl.when(jnp.logical_and(wid >= 8, wid < 10))
            def _nm_cols():
                co = (wid - 8) * 16

                def nm_k1(kk, a):
                    chunk = nsg_v[pl.ds(kk * 16, 16)]
                    for u in range(16):
                        ck = jnp.take_along_axis(chunk, spl(u), axis=0, mode="promise_in_bounds")
                        a = a + ck * wnm_v[pl.ds((kk * 16 + u) * MSG + co, 16)]
                    return a

                a = lax.fori_loop(0, HID // 16, nm_k1, zf)

                def nm_k2(kk, a):
                    chunk = cat_v[pl.ds(HID + kk * 16, 16)]
                    for u in range(16):
                        k = HID + kk * 16 + u
                        ck = jnp.take_along_axis(chunk, spl(u), axis=0, mode="promise_in_bounds")
                        a = a + ck * wnm_v[pl.ds(k * MSG + co, 16)]
                    return a

                a = lax.fori_loop(0, MSG // 16, nm_k2, a)
                nswr_v[pl.ds(0, 16)] = a + nmb_v[pl.ds(co, 16)]
                pltpu.sync_copy(nswr_v, msg_sp.at[mcount, pl.ds(co, 16)])

            plsc.store_scatter(ta_v, [spl(node)],
                               jnp.full((16,), ta_n + new_act), mask=lane0)

            @pl.when(tail < BUDGET)
            def _push():
                mcv = spl(lax.shift_left(mcount, jnp.int32(16)))

                def pb(j, _):
                    qpk_v[pl.ds(tail + j * 16, 16)] = (
                        nbr_v[pl.ds(base + j * 16, 16)] | mcv
                    )
                    return 0

                lax.fori_loop(0, (dn + 15) // 16, pb, 0)

            plsc.subcore_barrier()
            return dn

        dni = lax.cond(process, active, lambda _: jnp.int32(0), 0)
        step = jnp.where(process, jnp.int32(1), jnp.int32(0))
        return (head2 + step, tail + dni, mcount + step)

    lax.while_loop(cond, body, (jnp.int32(0), tail0, jnp.int32(N)))

    @pl.when(wid == 0)
    def _out():
        pltpu.sync_copy(ff_v, out_hbm)


def _sc_loop(encoded, first_message, ns_W, ns_b, nm_W, nm_b, act_W, act_b,
             nbr_flat, rowptr_pad, q0, scal):
    sc = pl.kernel(
        _sc_body,
        out_type=jax.ShapeDtypeStruct((N * HID,), jnp.float32),
        mesh=plsc.VectorSubcoreMesh(core_axis_name="c", subcore_axis_name="s",
                                    num_cores=1),
        compiler_params=pltpu.CompilerParams(needs_layout_passes=False),
        scratch_types=[
            pltpu.VMEM((N * HID,), jnp.float32),
            pltpu.VMEM((N * HID,), jnp.float32),
            pltpu.VMEM((CAT * 16,), jnp.float32),
            pltpu.VMEM((CAT * MSG,), jnp.float32),
            pltpu.VMEM((176,), jnp.float32),
            pltpu.VMEM((HID,), jnp.float32),
            pltpu.VMEM((MSG,), jnp.float32),
            pltpu.VMEM((NBR_SZ,), jnp.int32),
            pltpu.VMEM((RP_SZ,), jnp.int32),
            pltpu.VMEM((QCAP,), jnp.int32),
            pltpu.VMEM((CAT,), jnp.float32),
            pltpu.VMEM((MSG,), jnp.float32),
            pltpu.VMEM((HID,), jnp.float32),
            pltpu.VMEM((16,), jnp.float32),
            pltpu.VMEM((16,), jnp.int32),
            pltpu.VMEM((N + 16,), jnp.float32),
            pltpu.VMEM_SHARED((MS_ROWS, MSG), jnp.float32),
            pltpu.VMEM_SHARED((HID,), jnp.float32),
        ],
    )
    wactb = jnp.concatenate([act_W[:, 0], act_b, jnp.zeros((15,), jnp.float32)])
    wns_sliced = ns_W.reshape(CAT, 8, 16).transpose(1, 0, 2).reshape(-1)
    return sc(encoded.reshape(-1), first_message,
              wns_sliced, nm_W.reshape(-1), wactb,
              ns_b, nm_b, nbr_flat, rowptr_pad, q0, scal)


def kernel(xa, edge_index, starts, first_message, enc_W, enc_b, ns_W, ns_b,
           nm_W, nm_b, act_W, act_b, dec_W, dec_b):
    src, dst = edge_index[0], edge_index[1]
    adj = jnp.zeros((N, N), jnp.bool_).at[src, dst].set(True).at[dst, src].set(True)
    deg = jnp.sum(adj, axis=1, dtype=jnp.int32)
    rowptr = jnp.concatenate([jnp.zeros((1,), jnp.int32),
                              jnp.cumsum(deg, dtype=jnp.int32)])
    order = jnp.argsort(jnp.logical_not(adj), axis=1, stable=True).astype(jnp.int32)
    col = jnp.arange(N, dtype=jnp.int32)
    pos = rowptr[:N, None] + col[None, :]
    valid = col[None, :] < deg[:, None]
    nbr_flat = (jnp.zeros((NBR_SZ,), jnp.int32)
                .at[jnp.where(valid, pos, NBR_SZ)].set(order, mode='drop'))
    rowptr_pad = jnp.zeros((RP_SZ,), jnp.int32).at[:257].set(rowptr)

    start_mask = starts != 0
    offs0 = jnp.cumsum(start_mask.astype(jnp.int32)) - 1
    pos0 = jnp.where(start_mask, offs0, QCAP)
    q0 = (jnp.zeros((QCAP,), jnp.int32)
          .at[pos0].set(col | (col << 16), mode='drop'))
    tail0 = jnp.sum(start_mask).astype(jnp.int32)
    scal = jnp.zeros((16,), jnp.int32).at[0].set(tail0)

    encoded = pl.pallas_call(
        _enc_body,
        out_shape=jax.ShapeDtypeStruct((N, HID), jnp.float32),
    )(xa, enc_W, enc_b.reshape(1, HID))

    ff = _sc_loop(encoded, first_message, ns_W, ns_b, nm_W, nm_b, act_W, act_b,
                  nbr_flat, rowptr_pad, q0, scal).reshape(N, HID)

    return pl.pallas_call(
        _dec_body,
        out_shape=jax.ShapeDtypeStruct((NPRED, N, OUT_F), jnp.float32),
    )(ff, dec_W, dec_b)

# --- scband reference (transcript-rebuilt; emitter-appended) ---
"""Pipeline reference for scband-gw-acact-28123445854582 (READ-ONLY COPY).

The authoritative reference and input builder live on the scoring server;
editing this copy changes nothing except your own understanding.
"""

import jax, jax.numpy as jnp
import numpy as np
from collections import defaultdict, deque

N = 256
E = 2048
IN_F = 128
HID = 128
MSG = 32
OUT_F = 32
NPRED = 2


def setup_inputs(seed: int = 0):
    key = jax.random.key(seed)
    ks = jax.random.split(key, 16)

    def u(k, shape, fan_in):
        b = 1.0 / float(np.sqrt(fan_in))
        return jax.random.uniform(k, shape, jnp.float32, -b, b)

    xa = jax.random.normal(ks[0], (N, IN_F), jnp.float32)
    edge_index = jax.random.randint(ks[1], (2, E), 0, N, dtype=jnp.int32)
    starts = jax.random.randint(ks[2], (N,), 0, 2, dtype=jnp.int32)
    first_message = jax.random.normal(ks[3], (N, MSG), jnp.float32)
    enc_W = u(ks[4], (IN_F, HID), IN_F)
    enc_b = u(ks[5], (HID,), IN_F)
    ns_W = u(ks[6], (HID + MSG, HID), HID + MSG)
    ns_b = u(ks[7], (HID,), HID + MSG)
    nm_W = u(ks[8], (HID + MSG, MSG), HID + MSG)
    nm_b = u(ks[9], (MSG,), HID + MSG)
    act_W = u(ks[10], (HID + MSG, 1), HID + MSG)
    act_b = u(ks[11], (1,), HID + MSG)
    dec_W = u(ks[12], (NPRED, HID, OUT_F), HID)
    dec_b = u(ks[13], (NPRED, OUT_F), HID)
    return dict(xa=xa, edge_index=edge_index, starts=starts, first_message=first_message,
                enc_W=enc_W, enc_b=enc_b, ns_W=ns_W, ns_b=ns_b, nm_W=nm_W, nm_b=nm_b,
                act_W=act_W, act_b=act_b, dec_W=dec_W, dec_b=dec_b)


def reference(xa, edge_index, starts, first_message, enc_W, enc_b, ns_W, ns_b,
              nm_W, nm_b, act_W, act_b, dec_W, dec_b):
    num_nodes = xa.shape[0]
    msg_dim = first_message.shape[1]
    cap = num_nodes + num_nodes * 10 * num_nodes
    # neighbors(): undirected neighbor sets from edge_index
    src = edge_index[0]
    dst = edge_index[1]
    adj = jnp.zeros((num_nodes, num_nodes), jnp.bool_)
    adj = adj.at[src, dst].set(True)
    adj = adj.at[dst, src].set(True)

    encoded = xa @ enc_W + enc_b  # Linear encoder
    predictions = encoded
    total_act = jnp.zeros((num_nodes,), jnp.float32)
    final_features = jnp.zeros_like(encoded)

    start_mask = starts != 0
    offs0 = jnp.cumsum(start_mask.astype(jnp.int32)) - 1
    pos0 = jnp.where(start_mask, offs0, cap)
    node_ids = jnp.arange(num_nodes, dtype=jnp.int32)
    q_node = jnp.zeros((cap,), jnp.int32).at[pos0].set(node_ids, mode='drop')
    q_msg = jnp.zeros((cap, msg_dim), jnp.float32).at[pos0].set(first_message, mode='drop')
    head = jnp.int32(0)
    tail = jnp.sum(start_mask).astype(jnp.int32)
    messages = jnp.int32(0)

    def cond_fn(carry):
        head, tail, messages, q_node, q_msg, predictions, final_features, total_act = carry
        return (head < tail) & (messages < num_nodes * 10)

    def body_fn(carry):
        head, tail, messages, q_node, q_msg, predictions, final_features, total_act = carry
        messages = messages + 1
        node = q_node[head]
        message = q_msg[head][None, :]
        head = head + 1
        do = jnp.logical_not(total_act[node] > 1 - 1e-07)
        features = predictions[node][None, :]
        cat = jnp.concatenate([features, message], axis=1)
        candidate_act = jax.nn.sigmoid(cat @ act_W + act_b)
        over = (total_act[node] + candidate_act[0, 0]) > 1.0
        new_act = jnp.where(over, 1 - total_act[node], candidate_act[0, 0])
        newstate = jax.nn.relu(cat @ ns_W + ns_b)
        newmessage = jnp.concatenate([newstate, message], axis=1) @ nm_W + nm_b
        row = adj[node]
        offs = jnp.cumsum(row.astype(jnp.int32)) - 1
        pos = jnp.where(row & do, tail + offs, cap)
        q_node = q_node.at[pos].set(node_ids, mode='drop')
        q_msg = q_msg.at[pos].set(jnp.broadcast_to(newmessage[0], (num_nodes, msg_dim)),
                                  mode='drop')
        tail = tail + jnp.where(do, jnp.sum(row.astype(jnp.int32)), 0)
        predictions = predictions.at[node].set(jnp.where(do, newstate[0], predictions[node]))
        final_features = final_features.at[node].add(jnp.where(do, newstate[0] * new_act, 0.0))
        total_act = total_act.at[node].add(jnp.where(do, new_act, 0.0))
        return (head, tail, messages, q_node, q_msg, predictions, final_features, total_act)

    carry = (head, tail, messages, q_node, q_msg, predictions, final_features, total_act)
    carry = jax.lax.while_loop(cond_fn, body_fn, carry)
    final_features = carry[6]

    final = final_features
    # graph_class=False -> no graph-level sum; stack per-decoder log-softmax outputs
    preds = jnp.stack([jax.nn.log_softmax(final @ dec_W[p] + dec_b[p], axis=-1)
                       for p in range(dec_W.shape[0])], axis=0)
    return preds

if __name__ == "__main__":
    import jax
    _d = setup_inputs()
    print(jax.jit(kernel)(*tuple(_d.values())))

</pallas_src>

<mosaic_0001>
#map = affine_map<(d0, d1) -> (0)>
#map1 = affine_map<(d0, d1) -> (0, 0)>
module attributes {stable_mosaic.version = 14 : i64} {
  func.func @_sc_body(%arg0: i32, %arg1: i32, %arg2: memref<32768xf32, #tpu.memory_space<hbm>>, %arg3: memref<256x32xf32, #tpu.memory_space<hbm>>, %arg4: memref<20480xf32, #tpu.memory_space<hbm>>, %arg5: memref<5120xf32, #tpu.memory_space<hbm>>, %arg6: memref<176xf32, #tpu.memory_space<hbm>>, %arg7: memref<128xf32, #tpu.memory_space<hbm>>, %arg8: memref<32xf32, #tpu.memory_space<hbm>>, %arg9: memref<4112xi32, #tpu.memory_space<hbm>>, %arg10: memref<272xi32, #tpu.memory_space<hbm>>, %arg11: memref<2832xi32, #tpu.memory_space<hbm>>, %arg12: memref<16xi32, #tpu.memory_space<hbm>>, %arg13: memref<32768xf32, #tpu.memory_space<hbm>>, %arg14: memref<32768xf32, #tpu.memory_space<vmem>>, %arg15: memref<32768xf32, #tpu.memory_space<vmem>>, %arg16: memref<2560xf32, #tpu.memory_space<vmem>>, %arg17: memref<5120xf32, #tpu.memory_space<vmem>>, %arg18: memref<176xf32, #tpu.memory_space<vmem>>, %arg19: memref<128xf32, #tpu.memory_space<vmem>>, %arg20: memref<32xf32, #tpu.memory_space<vmem>>, %arg21: memref<4112xi32, #tpu.memory_space<vmem>>, %arg22: memref<272xi32, #tpu.memory_space<vmem>>, %arg23: memref<2832xi32, #tpu.memory_space<vmem>>, %arg24: memref<160xf32, #tpu.memory_space<vmem>>, %arg25: memref<32xf32, #tpu.memory_space<vmem>>, %arg26: memref<128xf32, #tpu.memory_space<vmem>>, %arg27: memref<16xf32, #tpu.memory_space<vmem>>, %arg28: memref<16xi32, #tpu.memory_space<vmem>>, %arg29: memref<272xf32, #tpu.memory_space<vmem>>, %arg30: memref<2816x32xf32, #tpu.memory_space<vmem_shared>>, %arg31: memref<128xf32, #tpu.memory_space<vmem_shared>>) attributes {dimension_semantics = [#tpu.dimension_semantics<core_parallel>, #tpu.dimension_semantics<subcore_parallel>], iteration_bounds = array<i64: 1, 16>, scalar_prefetch = 0 : i64, scratch_operands = 18 : i64, tpu.core_type = #tpu.core_type<sc_vector_subcore>, window_params = [{transform_indices = #map}, {transform_indices = #map1}, {transform_indices = #map}, {transform_indices = #map}, {transform_indices = #map}, {transform_indices = #map}, {transform_indices = #map}, {transform_indices = #map}, {transform_indices = #map}, {transform_indices = #map}, {transform_indices = #map}, {transform_indices = #map}]} {
    %broadcast_in_dim3A = arith.constant 0.000000e+00 : f32
    %broadcast_in_dim3A_0 = vector.broadcast %broadcast_in_dim3A : f32 to vector<16xf32>
    %iota3A = tpu.iota {dimensions = array<i32: 0>} : vector<16xi32>
    %eq3A = arith.constant 0 : i32
    %eq3A_1 = vector.broadcast %eq3A : i32 to vector<16xi32>
    %eq3A_2 = arith.cmpi eq, %iota3A, %eq3A_1 : vector<16xi32>
    "tpu.region"() ({
      %run_scoped3A = tpu.sem_alloc : memref<!tpu.dma_semaphore, #tpu.memory_space<semaphore_mem>>
      tpu.enqueue_dma source(%arg2 : memref<32768xf32, #tpu.memory_space<hbm>>) target(%arg14 : memref<32768xf32, #tpu.memory_space<vmem>>) target_semaphore(%run_scoped3A : memref<!tpu.dma_semaphore, #tpu.memory_space<semaphore_mem>>)
      tpu.wait_dma2 semaphore(%run_scoped3A : memref<!tpu.dma_semaphore, #tpu.memory_space<semaphore_mem>>) src(%arg2 : memref<32768xf32, #tpu.memory_space<hbm>>) dst(%arg14 : memref<32768xf32, #tpu.memory_space<vmem>>)
      tpu.yield
    }) : () -> ()
    "tpu.region"() ({
      %run_scoped3A = tpu.sem_alloc : memref<!tpu.dma_semaphore, #tpu.memory_space<semaphore_mem>>
      tpu.enqueue_dma source(%arg5 : memref<5120xf32, #tpu.memory_space<hbm>>) target(%arg17 : memref<5120xf32, #tpu.memory_space<vmem>>) target_semaphore(%run_scoped3A : memref<!tpu.dma_semaphore, #tpu.memory_space<semaphore_mem>>)
      tpu.wait_dma2 semaphore(%run_scoped3A : memref<!tpu.dma_semaphore, #tpu.memory_space<semaphore_mem>>) src(%arg5 : memref<5120xf32, #tpu.memory_space<hbm>>) dst(%arg17 : memref<5120xf32, #tpu.memory_space<vmem>>)
      tpu.yield
    }) : () -> ()
    "tpu.region"() ({
      %run_scoped3A = tpu.sem_alloc : memref<!tpu.dma_semaphore, #tpu.memory_space<semaphore_mem>>
      tpu.enqueue_dma source(%arg6 : memref<176xf32, #tpu.memory_space<hbm>>) target(%arg18 : memref<176xf32, #tpu.memory_space<vmem>>) target_semaphore(%run_scoped3A : memref<!tpu.dma_semaphore, #tpu.memory_space<semaphore_mem>>)
      tpu.wait_dma2 semaphore(%run_scoped3A : memref<!tpu.dma_semaphore, #tpu.memory_space<semaphore_mem>>) src(%arg6 : memref<176xf32, #tpu.memory_space<hbm>>) dst(%arg18 : memref<176xf32, #tpu.memory_space<vmem>>)
      tpu.yield
    }) : () -> ()
    "tpu.region"() ({
      %run_scoped3A = tpu.sem_alloc : memref<!tpu.dma_semaphore, #tpu.memory_space<semaphore_mem>>
      tpu.enqueue_dma source(%arg7 : memref<128xf32, #tpu.memory_space<hbm>>) target(%arg19 : memref<128xf32, #tpu.memory_space<vmem>>) target_semaphore(%run_scoped3A : memref<!tpu.dma_semaphore, #tpu.memory_space<semaphore_mem>>)
      tpu.wait_dma2 semaphore(%run_scoped3A : memref<!tpu.dma_semaphore, #tpu.memory_space<semaphore_mem>>) src(%arg7 : memref<128xf32, #tpu.memory_space<hbm>>) dst(%arg19 : memref<128xf32, #tpu.memory_space<vmem>>)
      tpu.yield
    }) : () -> ()
    "tpu.region"() ({
      %run_scoped3A = tpu.sem_alloc : memref<!tpu.dma_semaphore, #tpu.memory_space<semaphore_mem>>
      tpu.enqueue_dma source(%arg8 : memref<32xf32, #tpu.memory_space<hbm>>) target(%arg20 : memref<32xf32, #tpu.memory_space<vmem>>) target_semaphore(%run_scoped3A : memref<!tpu.dma_semaphore, #tpu.memory_space<semaphore_mem>>)
      tpu.wait_dma2 semaphore(%run_scoped3A : memref<!tpu.dma_semaphore, #tpu.memory_space<semaphore_mem>>) src(%arg8 : memref<32xf32, #tpu.memory_space<hbm>>) dst(%arg20 : memref<32xf32, #tpu.memory_space<vmem>>)
      tpu.yield
    }) : () -> ()
    "tpu.region"() ({
      %run_scoped3A = tpu.sem_alloc : memref<!tpu.dma_semaphore, #tpu.memory_space<semaphore_mem>>
      tpu.enqueue_dma source(%arg9 : memref<4112xi32, #tpu.memory_space<hbm>>) target(%arg21 : memref<4112xi32, #tpu.memory_space<vmem>>) target_semaphore(%run_scoped3A : memref<!tpu.dma_semaphore, #tpu.memory_space<semaphore_mem>>)
      tpu.wait_dma2 semaphore(%run_scoped3A : memref<!tpu.dma_semaphore, #tpu.memory_space<semaphore_mem>>) src(%arg9 : memref<4112xi32, #tpu.memory_space<hbm>>) dst(%arg21 : memref<4112xi32, #tpu.memory_space<vmem>>)
      tpu.yield
    }) : () -> ()
    "tpu.region"() ({
      %run_scoped3A = tpu.sem_alloc : memref<!tpu.dma_semaphore, #tpu.memory_space<semaphore_mem>>
      tpu.enqueue_dma source(%arg10 : memref<272xi32, #tpu.memory_space<hbm>>) target(%arg22 : memref<272xi32, #tpu.memory_space<vmem>>) target_semaphore(%run_scoped3A : memref<!tpu.dma_semaphore, #tpu.memory_space<semaphore_mem>>)
      tpu.wait_dma2 semaphore(%run_scoped3A : memref<!tpu.dma_semaphore, #tpu.memory_space<semaphore_mem>>) src(%arg10 : memref<272xi32, #tpu.memory_space<hbm>>) dst(%arg22 : memref<272xi32, #tpu.memory_space<vmem>>)
      tpu.yield
    }) : () -> ()
    "tpu.region"() ({
      %run_scoped3A = tpu.sem_alloc : memref<!tpu.dma_semaphore, #tpu.memory_space<semaphore_mem>>
      tpu.enqueue_dma source(%arg11 : memref<2832xi32, #tpu.memory_space<hbm>>) target(%arg23 : memref<2832xi32, #tpu.memory_space<vmem>>) target_semaphore(%run_scoped3A : memref<!tpu.dma_semaphore, #tpu.memory_space<semaphore_mem>>)
      tpu.wait_dma2 semaphore(%run_scoped3A : memref<!tpu.dma_semaphore, #tpu.memory_space<semaphore_mem>>) src(%arg11 : memref<2832xi32, #tpu.memory_space<hbm>>) dst(%arg23 : memref<2832xi32, #tpu.memory_space<vmem>>)
      tpu.yield
    }) : () -> ()
    "tpu.region"() ({
      %run_scoped3A = tpu.sem_alloc : memref<!tpu.dma_semaphore, #tpu.memory_space<semaphore_mem>>
      tpu.enqueue_dma source(%arg12 : memref<16xi32, #tpu.memory_space<hbm>>) target(%arg28 : memref<16xi32, #tpu.memory_space<vmem>>) target_semaphore(%run_scoped3A : memref<!tpu.dma_semaphore, #tpu.memory_space<semaphore_mem>>)
      tpu.wait_dma2 semaphore(%run_scoped3A : memref<!tpu.dma_semaphore, #tpu.memory_space<semaphore_mem>>) src(%arg12 : memref<16xi32, #tpu.memory_space<hbm>>) dst(%arg28 : memref<16xi32, #tpu.memory_space<vmem>>)
      tpu.yield
    }) : () -> ()
    %lt3A = arith.constant 8 : i32
    %lt3A_3 = arith.cmpi slt, %arg1, %lt3A : i32
    %convert_element_type3A = arith.extui %lt3A_3 : i1 to i32
    %cond3A = arith.constant 0 : i32
    %cond3A_4 = arith.cmpi ne, %convert_element_type3A, %cond3A : i32
    scf.if %cond3A_4 {
      %mul3A = arith.constant 2560 : i32
      %mul3A_35 = arith.muli %arg1, %mul3A : i32
      "tpu.region"() ({
        %run_scoped3A = tpu.sem_alloc : memref<!tpu.dma_semaphore, #tpu.memory_space<semaphore_mem>>
        %dma_start3A = tpu.memref_slice %arg4[%mul3A_35] : memref<20480xf32, #tpu.memory_space<hbm>> -> memref<2560xf32, #tpu.memory_space<hbm>>
        %dma_start3A_36 = tpu.memref_slice %arg4[%mul3A_35] : memref<20480xf32, #tpu.memory_space<hbm>> -> memref<2560xf32, #tpu.memory_space<hbm>>
        tpu.enqueue_dma source(%dma_start3A_36 : memref<2560xf32, #tpu.memory_space<hbm>>) target(%arg16 : memref<2560xf32, #tpu.memory_space<vmem>>) target_semaphore(%run_scoped3A : memref<!tpu.dma_semaphore, #tpu.memory_space<semaphore_mem>>)
        %dma_wait3A = tpu.memref_slice %arg4[%mul3A_35] : memref<20480xf32, #tpu.memory_space<hbm>> -> memref<2560xf32, #tpu.memory_space<hbm>>
        %dma_wait3A_37 = tpu.memref_slice %arg4[%mul3A_35] : memref<20480xf32, #tpu.memory_space<hbm>> -> memref<2560xf32, #tpu.memory_space<hbm>>
        tpu.wait_dma2 semaphore(%run_scoped3A : memref<!tpu.dma_semaphore, #tpu.memory_space<semaphore_mem>>) src(%dma_wait3A_37 : memref<2560xf32, #tpu.memory_space<hbm>>) dst(%arg16 : memref<2560xf32, #tpu.memory_space<vmem>>)
        tpu.yield
      }) : () -> ()
    } else {
    }
    %eq3A_5 = arith.constant 0 : i32
    %eq3A_6 = arith.cmpi eq, %arg1, %eq3A_5 : i32
    %convert_element_type3A_7 = arith.extui %eq3A_6 : i1 to i32
    %cond3A_8 = arith.constant 0 : i32
    %cond3A_9 = arith.cmpi ne, %convert_element_type3A_7, %cond3A_8 : i32
    scf.if %cond3A_9 {
      "tpu.region"() ({
        %run_scoped3A = tpu.sem_alloc : memref<!tpu.dma_semaphore, #tpu.memory_space<semaphore_mem>>
        %dma_start3A = arith.constant 0 : i32
        %dma_start3A_35 = arith.constant 0 : i32
        %dma_start3A_36 = tpu.memref_slice %arg30[%dma_start3A, %dma_start3A_35] : memref<2816x32xf32, #tpu.memory_space<vmem_shared>> -> memref<256x32xf32, #tpu.memory_space<vmem_shared>>
        tpu.enqueue_dma source(%arg3 : memref<256x32xf32, #tpu.memory_space<hbm>>) target(%dma_start3A_36 : memref<256x32xf32, #tpu.memory_space<vmem_shared>>) target_semaphore(%run_scoped3A : memref<!tpu.dma_semaphore, #tpu.memory_space<semaphore_mem>>)
        %dma_wait3A = arith.constant 0 : i32
        %dma_wait3A_37 = arith.constant 0 : i32
        %dma_wait3A_38 = tpu.memref_slice %arg30[%dma_wait3A, %dma_wait3A_37] : memref<2816x32xf32, #tpu.memory_space<vmem_shared>> -> memref<256x32xf32, #tpu.memory_space<vmem_shared>>
        tpu.wait_dma2 semaphore(%run_scoped3A : memref<!tpu.dma_semaphore, #tpu.memory_space<semaphore_mem>>) src(%arg3 : memref<256x32xf32, #tpu.memory_space<hbm>>) dst(%dma_wait3A_38 : memref<256x32xf32, #tpu.memory_space<vmem_shared>>)
        tpu.yield
      }) : () -> ()
    } else {
    }
    %scan3A = arith.constant 0 : i32
    %scan3A_10 = arith.constant 0 : i32
    %scan3A_11 = arith.constant 2048 : i32
    %scan3A_12 = arith.addi %scan3A_10, %scan3A_11 : i32
    %scan3A_13 = arith.constant 1 : i32
    %scan3A_14 = scf.for %scan3A_35 = %scan3A_10 to %scan3A_12 step %scan3A_13 iter_args(%scan3A_36 = %scan3A) -> (i32)  : i32 {
      %mul3A = arith.constant 16 : i32
      %mul3A_37 = arith.muli %scan3A_35, %mul3A : i32
      %swap3A = arith.index_cast %mul3A_37 : i32 to index
      %swap3A_38 = tpu.vector_load %arg15[%swap3A] {strides = array<i32>} : memref<32768xf32, #tpu.memory_space<vmem>>, vector<16xf32>,
      tpu.vector_store %arg15[%swap3A], %broadcast_in_dim3A_0 {strides = array<i32>} : memref<32768xf32, #tpu.memory_space<vmem>>, vector<16xf32>,
      %scan3A_39 = arith.constant 0 : i32
      scf.yield %scan3A_39 : i32
    }
    %scan3A_15 = arith.constant 2048 : i32
    %scan3A_16 = arith.constant 0 : i32
    %scan3A_17 = arith.constant 0 : i32
    %scan3A_18 = arith.constant 17 : i32
    %scan3A_19 = arith.addi %scan3A_17, %scan3A_18 : i32
    %scan3A_20 = arith.constant 1 : i32
    %scan3A_21 = scf.for %scan3A_35 = %scan3A_17 to %scan3A_19 step %scan3A_20 iter_args(%scan3A_36 = %scan3A_16) -> (i32)  : i32 {
      %mul3A = arith.constant 16 : i32
      %mul3A_37 = arith.muli %scan3A_35, %mul3A : i32
      %swap3A = arith.index_cast %mul3A_37 : i32 to index
      %swap3A_38 = tpu.vector_load %arg29[%swap3A] {strides = array<i32>} : memref<272xf32, #tpu.memory_space<vmem>>, vector<16xf32>,
      tpu.vector_store %arg29[%swap3A], %broadcast_in_dim3A_0 {strides = array<i32>} : memref<272xf32, #tpu.memory_space<vmem>>, vector<16xf32>,
      %scan3A_39 = arith.constant 0 : i32
      scf.yield %scan3A_39 : i32
    }
    %scan3A_22 = arith.constant 17 : i32
    %barrier3A = arith.constant 0 : index
    tpu.barrier barrier_id(%barrier3A)
    %get3A = arith.constant 0 : index
    %get3A_23 = tpu.vector_load %arg28[%get3A] {strides = array<i32>} : memref<16xi32, #tpu.memory_space<vmem>>, vector<16xi32>,
    %slice3A = vector.extract_strided_slice %get3A_23 {offsets = [0], sizes = [1], strides = [1]} : vector<16xi32> to vector<1xi32>
    %squeeze3A = vector.extract %slice3A[0] : i32 from vector<1xi32>
    %get3A_24 = arith.constant 160 : index
    %get3A_25 = tpu.vector_load %arg18[%get3A_24] {strides = array<i32>} : memref<176xf32, #tpu.memory_space<vmem>>, vector<16xf32>,
    %slice3A_26 = vector.extract_strided_slice %get3A_25 {offsets = [0], sizes = [1], strides = [1]} : vector<16xf32> to vector<1xf32>
    %squeeze3A_27 = vector.extract %slice3A_26[0] : f32 from vector<1xf32>
    %while3A = arith.constant 0 : i32
    %while3A_28 = arith.constant 256 : i32
    %while3A_29:3 = scf.while (%while3A_35 = %while3A, %while3A_36 = %squeeze3A, %while3A_37 = %while3A_28) : (i32, i32, i32) -> (i32, i32, i32) {
      %lt3A_38 = arith.cmpi slt, %while3A_35, %while3A_36 : i32
      %lt3A_39 = arith.constant 2560 : i32
      %lt3A_40 = arith.cmpi slt, %while3A_35, %lt3A_39 : i32
      %and3A = arith.andi %lt3A_38, %lt3A_40 : i1
      scf.condition(%and3A) %while3A_35, %while3A_36, %while3A_37 : i32, i32, i32
    } do {
    ^bb0(%while3A_35: i32, %while3A_36: i32, %while3A_37: i32):
      %min3A = arith.constant 2560 : i32
      %min3A_38 = arith.minsi %while3A_36, %min3A : i32
      %get3A_39 = arith.index_cast %while3A_35 : i32 to index
      %get3A_40 = tpu.vector_load %arg23[%get3A_39] {strides = array<i32>} : memref<2832xi32, #tpu.memory_space<vmem>>, vector<16xi32>,
      %and3A = arith.constant 65535 : i32
      %and3A_41 = vector.broadcast %and3A : i32 to vector<16xi32>
      %and3A_42 = arith.andi %get3A_40, %and3A_41 : vector<16xi32>
      %gather3A = tpu.vector_load_idx %arg29[%and3A_42] : memref<272xf32, #tpu.memory_space<vmem>>[vector<16xi32>], vector<16xf32>,
      %gt3A = arith.constant 0.99999988 : f32
      %gt3A_43 = vector.broadcast %gt3A : f32 to vector<16xf32>
      %gt3A_44 = arith.cmpf ogt, %gather3A, %gt3A_43 : vector<16xf32>
      %not3A = arith.constant dense<true> : vector<16xi1>
      %not3A_45 = arith.xori %gt3A_44, %not3A : vector<16xi1>
      %iota3A_46 = tpu.iota {dimensions = array<i32: 0>} : vector<16xi32>
      %sub3A = arith.subi %min3A_38, %while3A_35 : i32
      %lt3A_47 = vector.broadcast %sub3A : i32 to vector<16xi32>
      %lt3A_48 = arith.cmpi slt, %iota3A_46, %lt3A_47 : vector<16xi32>
      %not3A_49 = arith.constant dense<true> : vector<16xi1>
      %not3A_50 = arith.xori %lt3A_48, %not3A_49 : vector<16xi1>
      %or3A = arith.ori %not3A_45, %not3A_50 : vector<16xi1>
      %all_reduce_ffs3A = tpu.all_reduce %or3A {dim = 0 : i64, kind = #tpu.reduction_kind<find_first_set>} : vector<16xi1> -> vector<16xi32>
      %slice3A_51 = vector.extract_strided_slice %all_reduce_ffs3A {offsets = [0], sizes = [1], strides = [1]} : vector<16xi32> to vector<1xi32>
      %squeeze3A_52 = vector.extract %slice3A_51[0] : i32 from vector<1xi32>
      %add3A = arith.addi %while3A_35, %squeeze3A_52 : i32
      %sub3A_53 = arith.subi %min3A_38, %while3A_35 : i32
      %min3A_54 = arith.constant 16 : i32
      %min3A_55 = arith.minsi %sub3A_53, %min3A_54 : i32
      %lt3A_56 = arith.cmpi slt, %squeeze3A_52, %min3A_55 : i32
      %convert_element_type3A_57 = arith.extui %lt3A_56 : i1 to i32
      %cond3A_58 = arith.constant 0 : i32
      %cond3A_59 = arith.constant 0 : i32
      %cond3A_60 = arith.cmpi ne, %convert_element_type3A_57, %cond3A_59 : i32
      %cond3A_61 = scf.if %cond3A_60 -> (i32) {
        %get3A_66 = arith.index_cast %add3A : i32 to index
        %get3A_67 = tpu.vector_load %arg23[%get3A_66] {strides = array<i32>} : memref<2832xi32, #tpu.memory_space<vmem>>, vector<16xi32>,
        %slice3A_68 = vector.extract_strided_slice %get3A_67 {offsets = [0], sizes = [1], strides = [1]} : vector<16xi32> to vector<1xi32>
        %squeeze3A_69 = vector.extract %slice3A_68[0] : i32 from vector<1xi32>
        %and3A_70 = arith.constant 65535 : i32
        %and3A_71 = arith.andi %squeeze3A_69, %and3A_70 : i32
        %get3A_72 = arith.index_cast %and3A_71 : i32 to index
        %get3A_73 = tpu.vector_load %arg29[%get3A_72] {strides = array<i32>} : memref<272xf32, #tpu.memory_space<vmem>>, vector<16xf32>,
        %slice3A_74 = vector.extract_strided_slice %get3A_73 {offsets = [0], sizes = [1], strides = [1]} : vector<16xf32> to vector<1xf32>
        %squeeze3A_75 = vector.extract %slice3A_74[0] : f32 from vector<1xf32>
        %shift_right_logical3A = arith.constant 16 : i32
        %shift_right_logical3A_76 = arith.shrui %squeeze3A_69, %shift_right_logical3A : i32
        %get3A_77 = arith.index_cast %and3A_71 : i32 to index
        %get3A_78 = tpu.vector_load %arg22[%get3A_77] {strides = array<i32>} : memref<272xi32, #tpu.memory_space<vmem>>, vector<16xi32>,
        %slice3A_79 = vector.extract_strided_slice %get3A_78 {offsets = [0], sizes = [1], strides = [1]} : vector<16xi32> to vector<1xi32>
        %squeeze3A_80 = vector.extract %slice3A_79[0] : i32 from vector<1xi32>
        %add3A_81 = arith.constant 1 : i32
        %add3A_82 = arith.addi %and3A_71, %add3A_81 : i32
        %get3A_83 = arith.index_cast %add3A_82 : i32 to index
        %get3A_84 = tpu.vector_load %arg22[%get3A_83] {strides = array<i32>} : memref<272xi32, #tpu.memory_space<vmem>>, vector<16xi32>,
        %slice3A_85 = vector.extract_strided_slice %get3A_84 {offsets = [0], sizes = [1], strides = [1]} : vector<16xi32> to vector<1xi32>
        %squeeze3A_86 = vector.extract %slice3A_85[0] : i32 from vector<1xi32>
        %sub3A_87 = arith.subi %squeeze3A_86, %squeeze3A_80 : i32
        "tpu.region"() ({
          %run_scoped3A = tpu.sem_alloc : memref<!tpu.dma_semaphore, #tpu.memory_space<semaphore_mem>>
          %dma_start3A = arith.constant 0 : i32
          %dma_start3A_372 = tpu.memref_slice %arg30[%shift_right_logical3A_76, %dma_start3A] : memref<2816x32xf32, #tpu.memory_space<vmem_shared>> -> memref<1x32xf32, #tpu.memory_space<vmem_shared>>
          %dma_start3A_373 = tpu.memref_squeeze %dma_start3A_372 : memref<1x32xf32, #tpu.memory_space<vmem_shared>> -> memref<32xf32, #tpu.memory_space<vmem_shared>>
          %dma_start3A_374 = arith.constant 0 : i32
          %dma_start3A_375 = tpu.memref_slice %arg30[%shift_right_logical3A_76, %dma_start3A_374] : memref<2816x32xf32, #tpu.memory_space<vmem_shared>> -> memref<1x32xf32, #tpu.memory_space<vmem_shared>>
          %dma_start3A_376 = tpu.memref_squeeze %dma_start3A_375 : memref<1x32xf32, #tpu.memory_space<vmem_shared>> -> memref<32xf32, #tpu.memory_space<vmem_shared>>
          tpu.enqueue_dma source(%dma_start3A_376 : memref<32xf32, #tpu.memory_space<vmem_shared>>) target(%arg25 : memref<32xf32, #tpu.memory_space<vmem>>) target_semaphore(%run_scoped3A : memref<!tpu.dma_semaphore, #tpu.memory_space<semaphore_mem>>)
          %dma_wait3A = arith.constant 0 : i32
          %dma_wait3A_377 = tpu.memref_slice %arg30[%shift_right_logical3A_76, %dma_wait3A] : memref<2816x32xf32, #tpu.memory_space<vmem_shared>> -> memref<1x32xf32, #tpu.memory_space<vmem_shared>>
          %dma_wait3A_378 = tpu.memref_squeeze %dma_wait3A_377 : memref<1x32xf32, #tpu.memory_space<vmem_shared>> -> memref<32xf32, #tpu.memory_space<vmem_shared>>
          %dma_wait3A_379 = arith.constant 0 : i32
          %dma_wait3A_380 = tpu.memref_slice %arg30[%shift_right_logical3A_76, %dma_wait3A_379] : memref<2816x32xf32, #tpu.memory_space<vmem_shared>> -> memref<1x32xf32, #tpu.memory_space<vmem_shared>>
          %dma_wait3A_381 = tpu.memref_squeeze %dma_wait3A_380 : memref<1x32xf32, #tpu.memory_space<vmem_shared>> -> memref<32xf32, #tpu.memory_space<vmem_shared>>
          tpu.wait_dma2 semaphore(%run_scoped3A : memref<!tpu.dma_semaphore, #tpu.memory_space<semaphore_mem>>) src(%dma_wait3A_381 : memref<32xf32, #tpu.memory_space<vmem_shared>>) dst(%arg25 : memref<32xf32, #tpu.memory_space<vmem>>)
          tpu.yield
        }) : () -> ()
        %mul3A = arith.constant 128 : i32
        %mul3A_88 = arith.muli %and3A_71, %mul3A : i32
        %add3A_89 = arith.constant 0 : i32
        %add3A_90 = arith.addi %mul3A_88, %add3A_89 : i32
        %get3A_91 = arith.index_cast %add3A_90 : i32 to index
        %get3A_92 = tpu.vector_load %arg14[%get3A_91] {strides = array<i32>} : memref<32768xf32, #tpu.memory_space<vmem>>, vector<16xf32>,
        %swap3A = arith.constant 0 : index
        %swap3A_93 = tpu.vector_load %arg24[%swap3A] {strides = array<i32>} : memref<160xf32, #tpu.memory_space<vmem>>, vector<16xf32>,
        tpu.vector_store %arg24[%swap3A], %get3A_92 {strides = array<i32>} : memref<160xf32, #tpu.memory_space<vmem>>, vector<16xf32>,
        %mul3A_94 = arith.constant 128 : i32
        %mul3A_95 = arith.muli %and3A_71, %mul3A_94 : i32
        %add3A_96 = arith.constant 16 : i32
        %add3A_97 = arith.addi %mul3A_95, %add3A_96 : i32
        %get3A_98 = arith.index_cast %add3A_97 : i32 to index
        %get3A_99 = tpu.vector_load %arg14[%get3A_98] {strides = array<i32>} : memref<32768xf32, #tpu.memory_space<vmem>>, vector<16xf32>,
        %swap3A_100 = arith.constant 16 : index
        %swap3A_101 = tpu.vector_load %arg24[%swap3A_100] {strides = array<i32>} : memref<160xf32, #tpu.memory_space<vmem>>, vector<16xf32>,
        tpu.vector_store %arg24[%swap3A_100], %get3A_99 {strides = array<i32>} : memref<160xf32, #tpu.memory_space<vmem>>, vector<16xf32>,
        %mul3A_102 = arith.constant 128 : i32
        %mul3A_103 = arith.muli %and3A_71, %mul3A_102 : i32
        %add3A_104 = arith.constant 32 : i32
        %add3A_105 = arith.addi %mul3A_103, %add3A_104 : i32
        %get3A_106 = arith.index_cast %add3A_105 : i32 to index
        %get3A_107 = tpu.vector_load %arg14[%get3A_106] {strides = array<i32>} : memref<32768xf32, #tpu.memory_space<vmem>>, vector<16xf32>,
        %swap3A_108 = arith.constant 32 : index
        %swap3A_109 = tpu.vector_load %arg24[%swap3A_108] {strides = array<i32>} : memref<160xf32, #tpu.memory_space<vmem>>, vector<16xf32>,
        tpu.vector_store %arg24[%swap3A_108], %get3A_107 {strides = array<i32>} : memref<160xf32, #tpu.memory_space<vmem>>, vector<16xf32>,
        %mul3A_110 = arith.constant 128 : i32
        %mul3A_111 = arith.muli %and3A_71, %mul3A_110 : i32
        %add3A_112 = arith.constant 48 : i32
        %add3A_113 = arith.addi %mul3A_111, %add3A_112 : i32
        %get3A_114 = arith.index_cast %add3A_113 : i32 to index
        %get3A_115 = tpu.vector_load %arg14[%get3A_114] {strides = array<i32>} : memref<32768xf32, #tpu.memory_space<vmem>>, vector<16xf32>,
        %swap3A_116 = arith.constant 48 : index
        %swap3A_117 = tpu.vector_load %arg24[%swap3A_116] {strides = array<i32>} : memref<160xf32, #tpu.memory_space<vmem>>, vector<16xf32>,
        tpu.vector_store %arg24[%swap3A_116], %get3A_115 {strides = array<i32>} : memref<160xf32, #tpu.memory_space<vmem>>, vector<16xf32>,
        %mul3A_118 = arith.constant 128 : i32
        %mul3A_119 = arith.muli %and3A_71, %mul3A_118 : i32
        %add3A_120 = arith.constant 64 : i32
        %add3A_121 = arith.addi %mul3A_119, %add3A_120 : i32
        %get3A_122 = arith.index_cast %add3A_121 : i32 to index
        %get3A_123 = tpu.vector_load %arg14[%get3A_122] {strides = array<i32>} : memref<32768xf32, #tpu.memory_space<vmem>>, vector<16xf32>,
        %swap3A_124 = arith.constant 64 : index
        %swap3A_125 = tpu.vector_load %arg24[%swap3A_124] {strides = array<i32>} : memref<160xf32, #tpu.memory_space<vmem>>, vector<16xf32>,
        tpu.vector_store %arg24[%swap3A_124], %get3A_123 {strides = array<i32>} : memref<160xf32, #tpu.memory_space<vmem>>, vector<16xf32>,
        %mul3A_126 = arith.constant 128 : i32
        %mul3A_127 = arith.muli %and3A_71, %mul3A_126 : i32
        %add3A_128 = arith.constant 80 : i32
        %add3A_129 = arith.addi %mul3A_127, %add3A_128 : i32
        %get3A_130 = arith.index_cast %add3A_129 : i32 to index
        %get3A_131 = tpu.vector_load %arg14[%get3A_130] {strides = array<i32>} : memref<32768xf32, #tpu.memory_space<vmem>>, vector<16xf32>,
        %swap3A_132 = arith.constant 80 : index
        %swap3A_133 = tpu.vector_load %arg24[%swap3A_132] {strides = array<i32>} : memref<160xf32, #tpu.memory_space<vmem>>, vector<16xf32>,
        tpu.vector_store %arg24[%swap3A_132], %get3A_131 {strides = array<i32>} : memref<160xf32, #tpu.memory_space<vmem>>, vector<16xf32>,
        %mul3A_134 = arith.constant 128 : i32
        %mul3A_135 = arith.muli %and3A_71, %mul3A_134 : i32
        %add3A_136 = arith.constant 96 : i32
        %add3A_137 = arith.addi %mul3A_135, %add3A_136 : i32
        %get3A_138 = arith.index_cast %add3A_137 : i32 to index
        %get3A_139 = tpu.vector_load %arg14[%get3A_138] {strides = array<i32>} : memref<32768xf32, #tpu.memory_space<vmem>>, vector<16xf32>,
        %swap3A_140 = arith.constant 96 : index
        %swap3A_141 = tpu.vector_load %arg24[%swap3A_140] {strides = array<i32>} : memref<160xf32, #tpu.memory_space<vmem>>, vector<16xf32>,
        tpu.vector_store %arg24[%swap3A_140], %get3A_139 {strides = array<i32>} : memref<160xf32, #tpu.memory_space<vmem>>, vector<16xf32>,
        %mul3A_142 = arith.constant 128 : i32
        %mul3A_143 = arith.muli %and3A_71, %mul3A_142 : i32
        %add3A_144 = arith.constant 112 : i32
        %add3A_145 = arith.addi %mul3A_143, %add3A_144 : i32
        %get3A_146 = arith.index_cast %add3A_145 : i32 to index
        %get3A_147 = tpu.vector_load %arg14[%get3A_146] {strides = array<i32>} : memref<32768xf32, #tpu.memory_space<vmem>>, vector<16xf32>,
        %swap3A_148 = arith.constant 112 : index
        %swap3A_149 = tpu.vector_load %arg24[%swap3A_148] {strides = array<i32>} : memref<160xf32, #tpu.memory_space<vmem>>, vector<16xf32>,
        tpu.vector_store %arg24[%swap3A_148], %get3A_147 {strides = array<i32>} : memref<160xf32, #tpu.memory_space<vmem>>, vector<16xf32>,
        %get3A_150 = arith.constant 0 : index
        %get3A_151 = tpu.vector_load %arg25[%get3A_150] {strides = array<i32>} : memref<32xf32, #tpu.memory_space<vmem>>, vector<16xf32>,
        %swap3A_152 = arith.constant 128 : index
        %swap3A_153 = tpu.vector_load %arg24[%swap3A_152] {strides = array<i32>} : memref<160xf32, #tpu.memory_space<vmem>>, vector<16xf32>,
        tpu.vector_store %arg24[%swap3A_152], %get3A_151 {strides = array<i32>} : memref<160xf32, #tpu.memory_space<vmem>>, vector<16xf32>,
        %get3A_154 = arith.constant 16 : index
        %get3A_155 = tpu.vector_load %arg25[%get3A_154] {strides = array<i32>} : memref<32xf32, #tpu.memory_space<vmem>>, vector<16xf32>,
        %swap3A_156 = arith.constant 144 : index
        %swap3A_157 = tpu.vector_load %arg24[%swap3A_156] {strides = array<i32>} : memref<160xf32, #tpu.memory_space<vmem>>, vector<16xf32>,
        tpu.vector_store %arg24[%swap3A_156], %get3A_155 {strides = array<i32>} : memref<160xf32, #tpu.memory_space<vmem>>, vector<16xf32>,
        %get3A_158 = arith.constant 0 : index
        %get3A_159 = tpu.vector_load %arg24[%get3A_158] {strides = array<i32>} : memref<160xf32, #tpu.memory_space<vmem>>, vector<16xf32>,
        %get3A_160 = arith.constant 0 : index
        %get3A_161 = tpu.vector_load %arg18[%get3A_160] {strides = array<i32>} : memref<176xf32, #tpu.memory_space<vmem>>, vector<16xf32>,
        %mul3A_162 = arith.mulf %get3A_159, %get3A_161 : vector<16xf32>
        %add3A_163 = arith.addf %broadcast_in_dim3A_0, %mul3A_162 : vector<16xf32>
        %get3A_164 = arith.constant 16 : index
        %get3A_165 = tpu.vector_load %arg24[%get3A_164] {strides = array<i32>} : memref<160xf32, #tpu.memory_space<vmem>>, vector<16xf32>,
        %get3A_166 = arith.constant 16 : index
        %get3A_167 = tpu.vector_load %arg18[%get3A_166] {strides = array<i32>} : memref<176xf32, #tpu.memory_space<vmem>>, vector<16xf32>,
        %mul3A_168 = arith.mulf %get3A_165, %get3A_167 : vector<16xf32>
        %add3A_169 = arith.addf %add3A_163, %mul3A_168 : vector<16xf32>
        %get3A_170 = arith.constant 32 : index
        %get3A_171 = tpu.vector_load %arg24[%get3A_170] {strides = array<i32>} : memref<160xf32, #tpu.memory_space<vmem>>, vector<16xf32>,
        %get3A_172 = arith.constant 32 : index
        %get3A_173 = tpu.vector_load %arg18[%get3A_172] {strides = array<i32>} : memref<176xf32, #tpu.memory_space<vmem>>, vector<16xf32>,
        %mul3A_174 = arith.mulf %get3A_171, %get3A_173 : vector<16xf32>
        %add3A_175 = arith.addf %add3A_169, %mul3A_174 : vector<16xf32>
        %get3A_176 = arith.constant 48 : index
        %get3A_177 = tpu.vector_load %arg24[%get3A_176] {strides = array<i32>} : memref<160xf32, #tpu.memory_space<vmem>>, vector<16xf32>,
        %get3A_178 = arith.constant 48 : index
        %get3A_179 = tpu.vector_load %arg18[%get3A_178] {strides = array<i32>} : memref<176xf32, #tpu.memory_space<vmem>>, vector<16xf32>,
        %mul3A_180 = arith.mulf %get3A_177, %get3A_179 : vector<16xf32>
        %add3A_181 = arith.addf %add3A_175, %mul3A_180 : vector<16xf32>
        %get3A_182 = arith.constant 64 : index
        %get3A_183 = tpu.vector_load %arg24[%get3A_182] {strides = array<i32>} : memref<160xf32, #tpu.memory_space<vmem>>, vector<16xf32>,
        %get3A_184 = arith.constant 64 : index
        %get3A_185 = tpu.vector_load %arg18[%get3A_184] {strides = array<i32>} : memref<176xf32, #tpu.memory_space<vmem>>, vector<16xf32>,
        %mul3A_186 = arith.mulf %get3A_183, %get3A_185 : vector<16xf32>
        %add3A_187 = arith.addf %add3A_181, %mul3A_186 : vector<16xf32>
        %get3A_188 = arith.constant 80 : index
        %get3A_189 = tpu.vector_load %arg24[%get3A_188] {strides = array<i32>} : memref<160xf32, #tpu.memory_space<vmem>>, vector<16xf32>,
        %get3A_190 = arith.constant 80 : index
        %get3A_191 = tpu.vector_load %arg18[%get3A_190] {strides = array<i32>} : memref<176xf32, #tpu.memory_space<vmem>>, vector<16xf32>,
        %mul3A_192 = arith.mulf %get3A_189, %get3A_191 : vector<16xf32>
        %add3A_193 = arith.addf %add3A_187, %mul3A_192 : vector<16xf32>
        %get3A_194 = arith.constant 96 : index
        %get3A_195 = tpu.vector_load %arg24[%get3A_194] {strides = array<i32>} : memref<160xf32, #tpu.memory_space<vmem>>, vector<16xf32>,
        %get3A_196 = arith.constant 96 : index
        %get3A_197 = tpu.vector_load %arg18[%get3A_196] {strides = array<i32>} : memref<176xf32, #tpu.memory_space<vmem>>, vector<16xf32>,
        %mul3A_198 = arith.mulf %get3A_195, %get3A_197 : vector<16xf32>
        %add3A_199 = arith.addf %add3A_193, %mul3A_198 : vector<16xf32>
        %get3A_200 = arith.constant 112 : index
        %get3A_201 = tpu.vector_load %arg24[%get3A_200] {strides = array<i32>} : memref<160xf32, #tpu.memory_space<vmem>>, vector<16xf32>,
        %get3A_202 = arith.constant 112 : index
        %get3A_203 = tpu.vector_load %arg18[%get3A_202] {strides = array<i32>} : memref<176xf32, #tpu.memory_space<vmem>>, vector<16xf32>,
        %mul3A_204 = arith.mulf %get3A_201, %get3A_203 : vector<16xf32>
        %add3A_205 = arith.addf %add3A_199, %mul3A_204 : vector<16xf32>
        %get3A_206 = arith.constant 128 : index
        %get3A_207 = tpu.vector_load %arg24[%get3A_206] {strides = array<i32>} : memref<160xf32, #tpu.memory_space<vmem>>, vector<16xf32>,
        %get3A_208 = arith.constant 128 : index
        %get3A_209 = tpu.vector_load %arg18[%get3A_208] {strides = array<i32>} : memref<176xf32, #tpu.memory_space<vmem>>, vector<16xf32>,
        %mul3A_210 = arith.mulf %get3A_207, %get3A_209 : vector<16xf32>
        %add3A_211 = arith.addf %add3A_205, %mul3A_210 : vector<16xf32>
        %get3A_212 = arith.constant 144 : index
        %get3A_213 = tpu.vector_load %arg24[%get3A_212] {strides = array<i32>} : memref<160xf32, #tpu.memory_space<vmem>>, vector<16xf32>,
        %get3A_214 = arith.constant 144 : index
        %get3A_215 = tpu.vector_load %arg18[%get3A_214] {strides = array<i32>} : memref<176xf32, #tpu.memory_space<vmem>>, vector<16xf32>,
        %mul3A_216 = arith.mulf %get3A_213, %get3A_215 : vector<16xf32>
        %add3A_217 = arith.addf %add3A_211, %mul3A_216 : vector<16xf32>
        %reduce_sum3A = arith.constant true
        %reduce_sum3A_218 = vector.broadcast %reduce_sum3A : i1 to vector<16xi1>
        %reduce_sum3A_219 = tpu.scan <sum>, %add3A_217 masked %reduce_sum3A_218 : vector<16xf32>, vector<16xi1> -> vector<16xf32>
        %reduce_sum3A_220 = vector.extract %reduce_sum3A_219[15] : f32 from vector<16xf32>
        %add3A_221 = arith.addf %reduce_sum3A_220, %squeeze3A_27 : f32
        %neg3A = arith.constant 0.000000e+00 : f32
        %neg3A_222 = arith.subf %neg3A, %add3A_221 : f32
        %broadcast_in_dim3A_223 = vector.broadcast %neg3A_222 : f32 to vector<16xf32>
        %exp3A = math.exp %broadcast_in_dim3A_223 : vector<16xf32>
        %add3A_224 = arith.constant 1.000000e+00 : f32
        %add3A_225 = vector.broadcast %add3A_224 : f32 to vector<16xf32>
        %add3A_226 = arith.addf %add3A_225, %exp3A : vector<16xf32>
        %div3A = arith.constant 1.000000e+00 : f32
        %div3A_227 = vector.broadcast %div3A : f32 to vector<16xf32>
        %div3A_228 = arith.divf %div3A_227, %add3A_226 : vector<16xf32>
        %slice3A_229 = vector.extract_strided_slice %div3A_228 {offsets = [0], sizes = [1], strides = [1]} : vector<16xf32> to vector<1xf32>
        %squeeze3A_230 = vector.extract %slice3A_229[0] : f32 from vector<1xf32>
        %add3A_231 = arith.addf %squeeze3A_75, %squeeze3A_230 : f32
        %gt3A_232 = arith.constant 1.000000e+00 : f32
        %gt3A_233 = arith.cmpf ogt, %add3A_231, %gt3A_232 : f32
        %sub3A_234 = arith.constant 1.000000e+00 : f32
        %sub3A_235 = arith.subf %sub3A_234, %squeeze3A_75 : f32
        %select_n3A_236 = arith.select %gt3A_233, %sub3A_235, %squeeze3A_230 : f32
        %lt3A_237 = arith.constant 8 : i32
        %lt3A_238 = arith.cmpi slt, %arg1, %lt3A_237 : i32
        %convert_element_type3A_239 = arith.extui %lt3A_238 : i1 to i32
        %cond3A_240 = arith.constant 0 : i32
        %cond3A_241 = arith.cmpi ne, %convert_element_type3A_239, %cond3A_240 : i32
        scf.if %cond3A_241 {
          %scan3A_372 = arith.constant 0 : i32
          %scan3A_373 = arith.constant 10 : i32
          %scan3A_374 = arith.addi %scan3A_372, %scan3A_373 : i32
          %scan3A_375 = arith.constant 1 : i32
          %scan3A_376 = scf.for %scan3A_389 = %scan3A_372 to %scan3A_374 step %scan3A_375 iter_args(%scan3A_390 = %broadcast_in_dim3A_0) -> (vector<16xf32>)  : i32 {
            %mul3A_391 = arith.constant 16 : i32
            %mul3A_392 = arith.muli %scan3A_389, %mul3A_391 : i32
            %get3A_393 = arith.index_cast %mul3A_392 : i32 to index
            %get3A_394 = tpu.vector_load %arg24[%get3A_393] {strides = array<i32>} : memref<160xf32, #tpu.memory_space<vmem>>, vector<16xf32>,
            %broadcast_in_dim3A_395 = arith.constant 0 : i32
            %broadcast_in_dim3A_396 = vector.broadcast %broadcast_in_dim3A_395 : i32 to vector<16xi32>
            %reshape3A = vector.shape_cast %broadcast_in_dim3A_396 : vector<16xi32> to vector<16x1xi32>
            %gather3A_397 = vector.shape_cast %reshape3A : vector<16x1xi32> to vector<16xi32>
            %gather3A_398 = tpu.dynamic_gather %get3A_394[%gather3A_397] in [0] : vector<16xf32>, vector<16xi32> -> vector<16xf32>
            %mul3A_399 = arith.constant 16 : i32
            %mul3A_400 = arith.muli %scan3A_389, %mul3A_399 : i32
            %add3A_401 = arith.constant 0 : i32
            %add3A_402 = arith.addi %mul3A_400, %add3A_401 : i32
            %mul3A_403 = arith.constant 16 : i32
            %mul3A_404 = arith.muli %add3A_402, %mul3A_403 : i32
            %get3A_405 = arith.index_cast %mul3A_404 : i32 to index
            %get3A_406 = tpu.vector_load %arg16[%get3A_405] {strides = array<i32>} : memref<2560xf32, #tpu.memory_space<vmem>>, vector<16xf32>,
            %mul3A_407 = arith.mulf %gather3A_398, %get3A_406 : vector<16xf32>
            %add3A_408 = arith.addf %scan3A_390, %mul3A_407 : vector<16xf32>
            %broadcast_in_dim3A_409 = arith.constant 1 : i32
            %broadcast_in_dim3A_410 = vector.broadcast %broadcast_in_dim3A_409 : i32 to vector<16xi32>
            %reshape3A_411 = vector.shape_cast %broadcast_in_dim3A_410 : vector<16xi32> to vector<16x1xi32>
            %gather3A_412 = vector.shape_cast %reshape3A_411 : vector<16x1xi32> to vector<16xi32>
            %gather3A_413 = tpu.dynamic_gather %get3A_394[%gather3A_412] in [0] : vector<16xf32>, vector<16xi32> -> vector<16xf32>
            %mul3A_414 = arith.constant 16 : i32
            %mul3A_415 = arith.muli %scan3A_389, %mul3A_414 : i32
            %add3A_416 = arith.constant 1 : i32
            %add3A_417 = arith.addi %mul3A_415, %add3A_416 : i32
            %mul3A_418 = arith.constant 16 : i32
            %mul3A_419 = arith.muli %add3A_417, %mul3A_418 : i32
            %get3A_420 = arith.index_cast %mul3A_419 : i32 to index
            %get3A_421 = tpu.vector_load %arg16[%get3A_420] {strides = array<i32>} : memref<2560xf32, #tpu.memory_space<vmem>>, vector<16xf32>,
            %mul3A_422 = arith.mulf %gather3A_413, %get3A_421 : vector<16xf32>
            %add3A_423 = arith.addf %add3A_408, %mul3A_422 : vector<16xf32>
            %broadcast_in_dim3A_424 = arith.constant 2 : i32
            %broadcast_in_dim3A_425 = vector.broadcast %broadcast_in_dim3A_424 : i32 to vector<16xi32>
            %reshape3A_426 = vector.shape_cast %broadcast_in_dim3A_425 : vector<16xi32> to vector<16x1xi32>
            %gather3A_427 = vector.shape_cast %reshape3A_426 : vector<16x1xi32> to vector<16xi32>
            %gather3A_428 = tpu.dynamic_gather %get3A_394[%gather3A_427] in [0] : vector<16xf32>, vector<16xi32> -> vector<16xf32>
            %mul3A_429 = arith.constant 16 : i32
            %mul3A_430 = arith.muli %scan3A_389, %mul3A_429 : i32
            %add3A_431 = arith.constant 2 : i32
            %add3A_432 = arith.addi %mul3A_430, %add3A_431 : i32
            %mul3A_433 = arith.constant 16 : i32
            %mul3A_434 = arith.muli %add3A_432, %mul3A_433 : i32
            %get3A_435 = arith.index_cast %mul3A_434 : i32 to index
            %get3A_436 = tpu.vector_load %arg16[%get3A_435] {strides = array<i32>} : memref<2560xf32, #tpu.memory_space<vmem>>, vector<16xf32>,
            %mul3A_437 = arith.mulf %gather3A_428, %get3A_436 : vector<16xf32>
            %add3A_438 = arith.addf %add3A_423, %mul3A_437 : vector<16xf32>
            %broadcast_in_dim3A_439 = arith.constant 3 : i32
            %broadcast_in_dim3A_440 = vector.broadcast %broadcast_in_dim3A_439 : i32 to vector<16xi32>
            %reshape3A_441 = vector.shape_cast %broadcast_in_dim3A_440 : vector<16xi32> to vector<16x1xi32>
            %gather3A_442 = vector.shape_cast %reshape3A_441 : vector<16x1xi32> to vector<16xi32>
            %gather3A_443 = tpu.dynamic_gather %get3A_394[%gather3A_442] in [0] : vector<16xf32>, vector<16xi32> -> vector<16xf32>
            %mul3A_444 = arith.constant 16 : i32
            %mul3A_445 = arith.muli %scan3A_389, %mul3A_444 : i32
            %add3A_446 = arith.constant 3 : i32
            %add3A_447 = arith.addi %mul3A_445, %add3A_446 : i32
            %mul3A_448 = arith.constant 16 : i32
            %mul3A_449 = arith.muli %add3A_447, %mul3A_448 : i32
            %get3A_450 = arith.index_cast %mul3A_449 : i32 to index
            %get3A_451 = tpu.vector_load %arg16[%get3A_450] {strides = array<i32>} : memref<2560xf32, #tpu.memory_space<vmem>>, vector<16xf32>,
            %mul3A_452 = arith.mulf %gather3A_443, %get3A_451 : vector<16xf32>
            %add3A_453 = arith.addf %add3A_438, %mul3A_452 : vector<16xf32>
            %broadcast_in_dim3A_454 = arith.constant 4 : i32
            %broadcast_in_dim3A_455 = vector.broadcast %broadcast_in_dim3A_454 : i32 to vector<16xi32>
            %reshape3A_456 = vector.shape_cast %broadcast_in_dim3A_455 : vector<16xi32> to vector<16x1xi32>
            %gather3A_457 = vector.shape_cast %reshape3A_456 : vector<16x1xi32> to vector<16xi32>
            %gather3A_458 = tpu.dynamic_gather %get3A_394[%gather3A_457] in [0] : vector<16xf32>, vector<16xi32> -> vector<16xf32>
            %mul3A_459 = arith.constant 16 : i32
            %mul3A_460 = arith.muli %scan3A_389, %mul3A_459 : i32
            %add3A_461 = arith.constant 4 : i32
            %add3A_462 = arith.addi %mul3A_460, %add3A_461 : i32
            %mul3A_463 = arith.constant 16 : i32
            %mul3A_464 = arith.muli %add3A_462, %mul3A_463 : i32
            %get3A_465 = arith.index_cast %mul3A_464 : i32 to index
            %get3A_466 = tpu.vector_load %arg16[%get3A_465] {strides = array<i32>} : memref<2560xf32, #tpu.memory_space<vmem>>, vector<16xf32>,
            %mul3A_467 = arith.mulf %gather3A_458, %get3A_466 : vector<16xf32>
            %add3A_468 = arith.addf %add3A_453, %mul3A_467 : vector<16xf32>
            %broadcast_in_dim3A_469 = arith.constant 5 : i32
            %broadcast_in_dim3A_470 = vector.broadcast %broadcast_in_dim3A_469 : i32 to vector<16xi32>
            %reshape3A_471 = vector.shape_cast %broadcast_in_dim3A_470 : vector<16xi32> to vector<16x1xi32>
            %gather3A_472 = vector.shape_cast %reshape3A_471 : vector<16x1xi32> to vector<16xi32>
            %gather3A_473 = tpu.dynamic_gather %get3A_394[%gather3A_472] in [0] : vector<16xf32>, vector<16xi32> -> vector<16xf32>
            %mul3A_474 = arith.constant 16 : i32
            %mul3A_475 = arith.muli %scan3A_389, %mul3A_474 : i32
            %add3A_476 = arith.constant 5 : i32
            %add3A_477 = arith.addi %mul3A_475, %add3A_476 : i32
            %mul3A_478 = arith.constant 16 : i32
            %mul3A_479 = arith.muli %add3A_477, %mul3A_478 : i32
            %get3A_480 = arith.index_cast %mul3A_479 : i32 to index
            %get3A_481 = tpu.vector_load %arg16[%get3A_480] {strides = array<i32>} : memref<2560xf32, #tpu.memory_space<vmem>>, vector<16xf32>,
            %mul3A_482 = arith.mulf %gather3A_473, %get3A_481 : vector<16xf32>
            %add3A_483 = arith.addf %add3A_468, %mul3A_482 : vector<16xf32>
            %broadcast_in_dim3A_484 = arith.constant 6 : i32
            %broadcast_in_dim3A_485 = vector.broadcast %broadcast_in_dim3A_484 : i32 to vector<16xi32>
            %reshape3A_486 = vector.shape_cast %broadcast_in_dim3A_485 : vector<16xi32> to vector<16x1xi32>
            %gather3A_487 = vector.shape_cast %reshape3A_486 : vector<16x1xi32> to vector<16xi32>
            %gather3A_488 = tpu.dynamic_gather %get3A_394[%gather3A_487] in [0] : vector<16xf32>, vector<16xi32> -> vector<16xf32>
            %mul3A_489 = arith.constant 16 : i32
            %mul3A_490 = arith.muli %scan3A_389, %mul3A_489 : i32
            %add3A_491 = arith.constant 6 : i32
            %add3A_492 = arith.addi %mul3A_490, %add3A_491 : i32
            %mul3A_493 = arith.constant 16 : i32
            %mul3A_494 = arith.muli %add3A_492, %mul3A_493 : i32
            %get3A_495 = arith.index_cast %mul3A_494 : i32 to index
            %get3A_496 = tpu.vector_load %arg16[%get3A_495] {strides = array<i32>} : memref<2560xf32, #tpu.memory_space<vmem>>, vector<16xf32>,
            %mul3A_497 = arith.mulf %gather3A_488, %get3A_496 : vector<16xf32>
            %add3A_498 = arith.addf %add3A_483, %mul3A_497 : vector<16xf32>
            %broadcast_in_dim3A_499 = arith.constant 7 : i32
            %broadcast_in_dim3A_500 = vector.broadcast %broadcast_in_dim3A_499 : i32 to vector<16xi32>
            %reshape3A_501 = vector.shape_cast %broadcast_in_dim3A_500 : vector<16xi32> to vector<16x1xi32>
            %gather3A_502 = vector.shape_cast %reshape3A_501 : vector<16x1xi32> to vector<16xi32>
            %gather3A_503 = tpu.dynamic_gather %get3A_394[%gather3A_502] in [0] : vector<16xf32>, vector<16xi32> -> vector<16xf32>
            %mul3A_504 = arith.constant 16 : i32
            %mul3A_505 = arith.muli %scan3A_389, %mul3A_504 : i32
            %add3A_506 = arith.constant 7 : i32
            %add3A_507 = arith.addi %mul3A_505, %add3A_506 : i32
            %mul3A_508 = arith.constant 16 : i32
            %mul3A_509 = arith.muli %add3A_507, %mul3A_508 : i32
            %get3A_510 = arith.index_cast %mul3A_509 : i32 to index
            %get3A_511 = tpu.vector_load %arg16[%get3A_510] {strides = array<i32>} : memref<2560xf32, #tpu.memory_space<vmem>>, vector<16xf32>,
            %mul3A_512 = arith.mulf %gather3A_503, %get3A_511 : vector<16xf32>
            %add3A_513 = arith.addf %add3A_498, %mul3A_512 : vector<16xf32>
            %broadcast_in_dim3A_514 = arith.constant 8 : i32
            %broadcast_in_dim3A_515 = vector.broadcast %broadcast_in_dim3A_514 : i32 to vector<16xi32>
            %reshape3A_516 = vector.shape_cast %broadcast_in_dim3A_515 : vector<16xi32> to vector<16x1xi32>
            %gather3A_517 = vector.shape_cast %reshape3A_516 : vector<16x1xi32> to vector<16xi32>
            %gather3A_518 = tpu.dynamic_gather %get3A_394[%gather3A_517] in [0] : vector<16xf32>, vector<16xi32> -> vector<16xf32>
            %mul3A_519 = arith.constant 16 : i32
            %mul3A_520 = arith.muli %scan3A_389, %mul3A_519 : i32
            %add3A_521 = arith.constant 8 : i32
            %add3A_522 = arith.addi %mul3A_520, %add3A_521 : i32
            %mul3A_523 = arith.constant 16 : i32
            %mul3A_524 = arith.muli %add3A_522, %mul3A_523 : i32
            %get3A_525 = arith.index_cast %mul3A_524 : i32 to index
            %get3A_526 = tpu.vector_load %arg16[%get3A_525] {strides = array<i32>} : memref<2560xf32, #tpu.memory_space<vmem>>, vector<16xf32>,
            %mul3A_527 = arith.mulf %gather3A_518, %get3A_526 : vector<16xf32>
            %add3A_528 = arith.addf %add3A_513, %mul3A_527 : vector<16xf32>
            %broadcast_in_dim3A_529 = arith.constant 9 : i32
            %broadcast_in_dim3A_530 = vector.broadcast %broadcast_in_dim3A_529 : i32 to vector<16xi32>
            %reshape3A_531 = vector.shape_cast %broadcast_in_dim3A_530 : vector<16xi32> to vector<16x1xi32>
            %gather3A_532 = vector.shape_cast %reshape3A_531 : vector<16x1xi32> to vector<16xi32>
            %gather3A_533 = tpu.dynamic_gather %get3A_394[%gather3A_532] in [0] : vector<16xf32>, vector<16xi32> -> vector<16xf32>
            %mul3A_534 = arith.constant 16 : i32
            %mul3A_535 = arith.muli %scan3A_389, %mul3A_534 : i32
            %add3A_536 = arith.constant 9 : i32
            %add3A_537 = arith.addi %mul3A_535, %add3A_536 : i32
            %mul3A_538 = arith.constant 16 : i32
            %mul3A_539 = arith.muli %add3A_537, %mul3A_538 : i32
            %get3A_540 = arith.index_cast %mul3A_539 : i32 to index
            %get3A_541 = tpu.vector_load %arg16[%get3A_540] {strides = array<i32>} : memref<2560xf32, #tpu.memory_space<vmem>>, vector<16xf32>,
            %mul3A_542 = arith.mulf %gather3A_533, %get3A_541 : vector<16xf32>
            %add3A_543 = arith.addf %add3A_528, %mul3A_542 : vector<16xf32>
            %broadcast_in_dim3A_544 = arith.constant 10 : i32
            %broadcast_in_dim3A_545 = vector.broadcast %broadcast_in_dim3A_544 : i32 to vector<16xi32>
            %reshape3A_546 = vector.shape_cast %broadcast_in_dim3A_545 : vector<16xi32> to vector<16x1xi32>
            %gather3A_547 = vector.shape_cast %reshape3A_546 : vector<16x1xi32> to vector<16xi32>
            %gather3A_548 = tpu.dynamic_gather %get3A_394[%gather3A_547] in [0] : vector<16xf32>, vector<16xi32> -> vector<16xf32>
            %mul3A_549 = arith.constant 16 : i32
            %mul3A_550 = arith.muli %scan3A_389, %mul3A_549 : i32
            %add3A_551 = arith.constant 10 : i32
            %add3A_552 = arith.addi %mul3A_550, %add3A_551 : i32
            %mul3A_553 = arith.constant 16 : i32
            %mul3A_554 = arith.muli %add3A_552, %mul3A_553 : i32
            %get3A_555 = arith.index_cast %mul3A_554 : i32 to index
            %get3A_556 = tpu.vector_load %arg16[%get3A_555] {strides = array<i32>} : memref<2560xf32, #tpu.memory_space<vmem>>, vector<16xf32>,
            %mul3A_557 = arith.mulf %gather3A_548, %get3A_556 : vector<16xf32>
            %add3A_558 = arith.addf %add3A_543, %mul3A_557 : vector<16xf32>
            %broadcast_in_dim3A_559 = arith.constant 11 : i32
            %broadcast_in_dim3A_560 = vector.broadcast %broadcast_in_dim3A_559 : i32 to vector<16xi32>
            %reshape3A_561 = vector.shape_cast %broadcast_in_dim3A_560 : vector<16xi32> to vector<16x1xi32>
            %gather3A_562 = vector.shape_cast %reshape3A_561 : vector<16x1xi32> to vector<16xi32>
            %gather3A_563 = tpu.dynamic_gather %get3A_394[%gather3A_562] in [0] : vector<16xf32>, vector<16xi32> -> vector<16xf32>
            %mul3A_564 = arith.constant 16 : i32
            %mul3A_565 = arith.muli %scan3A_389, %mul3A_564 : i32
            %add3A_566 = arith.constant 11 : i32
            %add3A_567 = arith.addi %mul3A_565, %add3A_566 : i32
            %mul3A_568 = arith.constant 16 : i32
            %mul3A_569 = arith.muli %add3A_567, %mul3A_568 : i32
            %get3A_570 = arith.index_cast %mul3A_569 : i32 to index
            %get3A_571 = tpu.vector_load %arg16[%get3A_570] {strides = array<i32>} : memref<2560xf32, #tpu.memory_space<vmem>>, vector<16xf32>,
            %mul3A_572 = arith.mulf %gather3A_563, %get3A_571 : vector<16xf32>
            %add3A_573 = arith.addf %add3A_558, %mul3A_572 : vector<16xf32>
            %broadcast_in_dim3A_574 = arith.constant 12 : i32
            %broadcast_in_dim3A_575 = vector.broadcast %broadcast_in_dim3A_574 : i32 to vector<16xi32>
            %reshape3A_576 = vector.shape_cast %broadcast_in_dim3A_575 : vector<16xi32> to vector<16x1xi32>
            %gather3A_577 = vector.shape_cast %reshape3A_576 : vector<16x1xi32> to vector<16xi32>
            %gather3A_578 = tpu.dynamic_gather %get3A_394[%gather3A_577] in [0] : vector<16xf32>, vector<16xi32> -> vector<16xf32>
            %mul3A_579 = arith.constant 16 : i32
            %mul3A_580 = arith.muli %scan3A_389, %mul3A_579 : i32
            %add3A_581 = arith.constant 12 : i32
            %add3A_582 = arith.addi %mul3A_580, %add3A_581 : i32
            %mul3A_583 = arith.constant 16 : i32
            %mul3A_584 = arith.muli %add3A_582, %mul3A_583 : i32
            %get3A_585 = arith.index_cast %mul3A_584 : i32 to index
            %get3A_586 = tpu.vector_load %arg16[%get3A_585] {strides = array<i32>} : memref<2560xf32, #tpu.memory_space<vmem>>, vector<16xf32>,
            %mul3A_587 = arith.mulf %gather3A_578, %get3A_586 : vector<16xf32>
            %add3A_588 = arith.addf %add3A_573, %mul3A_587 : vector<16xf32>
            %broadcast_in_dim3A_589 = arith.constant 13 : i32
            %broadcast_in_dim3A_590 = vector.broadcast %broadcast_in_dim3A_589 : i32 to vector<16xi32>
            %reshape3A_591 = vector.shape_cast %broadcast_in_dim3A_590 : vector<16xi32> to vector<16x1xi32>
            %gather3A_592 = vector.shape_cast %reshape3A_591 : vector<16x1xi32> to vector<16xi32>
            %gather3A_593 = tpu.dynamic_gather %get3A_394[%gather3A_592] in [0] : vector<16xf32>, vector<16xi32> -> vector<16xf32>
            %mul3A_594 = arith.constant 16 : i32
            %mul3A_595 = arith.muli %scan3A_389, %mul3A_594 : i32
            %add3A_596 = arith.constant 13 : i32
            %add3A_597 = arith.addi %mul3A_595, %add3A_596 : i32
            %mul3A_598 = arith.constant 16 : i32
            %mul3A_599 = arith.muli %add3A_597, %mul3A_598 : i32
            %get3A_600 = arith.index_cast %mul3A_599 : i32 to index
            %get3A_601 = tpu.vector_load %arg16[%get3A_600] {strides = array<i32>} : memref<2560xf32, #tpu.memory_space<vmem>>, vector<16xf32>,
            %mul3A_602 = arith.mulf %gather3A_593, %get3A_601 : vector<16xf32>
            %add3A_603 = arith.addf %add3A_588, %mul3A_602 : vector<16xf32>
            %broadcast_in_dim3A_604 = arith.constant 14 : i32
            %broadcast_in_dim3A_605 = vector.broadcast %broadcast_in_dim3A_604 : i32 to vector<16xi32>
            %reshape3A_606 = vector.shape_cast %broadcast_in_dim3A_605 : vector<16xi32> to vector<16x1xi32>
            %gather3A_607 = vector.shape_cast %reshape3A_606 : vector<16x1xi32> to vector<16xi32>
            %gather3A_608 = tpu.dynamic_gather %get3A_394[%gather3A_607] in [0] : vector<16xf32>, vector<16xi32> -> vector<16xf32>
            %mul3A_609 = arith.constant 16 : i32
            %mul3A_610 = arith.muli %scan3A_389, %mul3A_609 : i32
            %add3A_611 = arith.constant 14 : i32
            %add3A_612 = arith.addi %mul3A_610, %add3A_611 : i32
            %mul3A_613 = arith.constant 16 : i32
            %mul3A_614 = arith.muli %add3A_612, %mul3A_613 : i32
            %get3A_615 = arith.index_cast %mul3A_614 : i32 to index
            %get3A_616 = tpu.vector_load %arg16[%get3A_615] {strides = array<i32>} : memref<2560xf32, #tpu.memory_space<vmem>>, vector<16xf32>,
            %mul3A_617 = arith.mulf %gather3A_608, %get3A_616 : vector<16xf32>
            %add3A_618 = arith.addf %add3A_603, %mul3A_617 : vector<16xf32>
            %broadcast_in_dim3A_619 = arith.constant 15 : i32
            %broadcast_in_dim3A_620 = vector.broadcast %broadcast_in_dim3A_619 : i32 to vector<16xi32>
            %reshape3A_621 = vector.shape_cast %broadcast_in_dim3A_620 : vector<16xi32> to vector<16x1xi32>
            %gather3A_622 = vector.shape_cast %reshape3A_621 : vector<16x1xi32> to vector<16xi32>
            %gather3A_623 = tpu.dynamic_gather %get3A_394[%gather3A_622] in [0] : vector<16xf32>, vector<16xi32> -> vector<16xf32>
            %mul3A_624 = arith.constant 16 : i32
            %mul3A_625 = arith.muli %scan3A_389, %mul3A_624 : i32
            %add3A_626 = arith.constant 15 : i32
            %add3A_627 = arith.addi %mul3A_625, %add3A_626 : i32
            %mul3A_628 = arith.constant 16 : i32
            %mul3A_629 = arith.muli %add3A_627, %mul3A_628 : i32
            %get3A_630 = arith.index_cast %mul3A_629 : i32 to index
            %get3A_631 = tpu.vector_load %arg16[%get3A_630] {strides = array<i32>} : memref<2560xf32, #tpu.memory_space<vmem>>, vector<16xf32>,
            %mul3A_632 = arith.mulf %gather3A_623, %get3A_631 : vector<16xf32>
            %add3A_633 = arith.addf %add3A_618, %mul3A_632 : vector<16xf32>
            scf.yield %add3A_633 : vector<16xf32>
          }
          %scan3A_377 = arith.constant 10 : i32
          %mul3A_378 = arith.constant 16 : i32
          %mul3A_379 = arith.muli %arg1, %mul3A_378 : i32
          %get3A_380 = arith.index_cast %mul3A_379 : i32 to index
          %get3A_381 = tpu.vector_load %arg19[%get3A_380] {strides = array<i32>} : memref<128xf32, #tpu.memory_space<vmem>>, vector<16xf32>,
          %add3A_382 = arith.addf %scan3A_376, %get3A_381 : vector<16xf32>
          %max3A = arith.constant 0.000000e+00 : f32
          %max3A_383 = vector.broadcast %max3A : f32 to vector<16xf32>
          %max3A_384 = arith.maximumf %add3A_382, %max3A_383 : vector<16xf32>
          %swap3A_385 = arith.constant 0 : index
          %swap3A_386 = tpu.vector_load %arg27[%swap3A_385] {strides = array<i32>} : memref<16xf32, #tpu.memory_space<vmem>>, vector<16xf32>,
          tpu.vector_store %arg27[%swap3A_385], %max3A_384 {strides = array<i32>} : memref<16xf32, #tpu.memory_space<vmem>>, vector<16xf32>,
          %mul3A_387 = arith.constant 16 : i32
          %mul3A_388 = arith.muli %arg1, %mul3A_387 : i32
          "tpu.region"() ({
            %run_scoped3A = tpu.sem_alloc : memref<!tpu.dma_semaphore, #tpu.memory_space<semaphore_mem>>
            %dma_start3A = tpu.memref_slice %arg31[%mul3A_388] : memref<128xf32, #tpu.memory_space<vmem_shared>> -> memref<16xf32, #tpu.memory_space<vmem_shared>>
            %dma_start3A_389 = tpu.memref_slice %arg31[%mul3A_388] : memref<128xf32, #tpu.memory_space<vmem_shared>> -> memref<16xf32, #tpu.memory_space<vmem_shared>>
            tpu.enqueue_dma source(%arg27 : memref<16xf32, #tpu.memory_space<vmem>>) target(%dma_start3A_389 : memref<16xf32, #tpu.memory_space<vmem_shared>>) target_semaphore(%run_scoped3A : memref<!tpu.dma_semaphore, #tpu.memory_space<semaphore_mem>>)
            %dma_wait3A = tpu.memref_slice %arg31[%mul3A_388] : memref<128xf32, #tpu.memory_space<vmem_shared>> -> memref<16xf32, #tpu.memory_space<vmem_shared>>
            %dma_wait3A_390 = tpu.memref_slice %arg31[%mul3A_388] : memref<128xf32, #tpu.memory_space<vmem_shared>> -> memref<16xf32, #tpu.memory_space<vmem_shared>>
            tpu.wait_dma2 semaphore(%run_scoped3A : memref<!tpu.dma_semaphore, #tpu.memory_space<semaphore_mem>>) src(%arg27 : memref<16xf32, #tpu.memory_space<vmem>>) dst(%dma_wait3A_390 : memref<16xf32, #tpu.memory_space<vmem_shared>>)
            tpu.yield
          }) : () -> ()
        } else {
        }
        %barrier3A_242 = arith.constant 0 : index
        tpu.barrier barrier_id(%barrier3A_242)
        "tpu.region"() ({
          %run_scoped3A = tpu.sem_alloc : memref<!tpu.dma_semaphore, #tpu.memory_space<semaphore_mem>>
          tpu.enqueue_dma source(%arg31 : memref<128xf32, #tpu.memory_space<vmem_shared>>) target(%arg26 : memref<128xf32, #tpu.memory_space<vmem>>) target_semaphore(%run_scoped3A : memref<!tpu.dma_semaphore, #tpu.memory_space<semaphore_mem>>)
          tpu.wait_dma2 semaphore(%run_scoped3A : memref<!tpu.dma_semaphore, #tpu.memory_space<semaphore_mem>>) src(%arg31 : memref<128xf32, #tpu.memory_space<vmem_shared>>) dst(%arg26 : memref<128xf32, #tpu.memory_space<vmem>>)
          tpu.yield
        }) : () -> ()
        %broadcast_in_dim3A_243 = vector.broadcast %select_n3A_236 : f32 to vector<16xf32>
        %get3A_244 = arith.constant 0 : index
        %get3A_245 = tpu.vector_load %arg26[%get3A_244] {strides = array<i32>} : memref<128xf32, #tpu.memory_space<vmem>>, vector<16xf32>,
        %mul3A_246 = arith.constant 128 : i32
        %mul3A_247 = arith.muli %and3A_71, %mul3A_246 : i32
        %add3A_248 = arith.constant 0 : i32
        %add3A_249 = arith.addi %mul3A_247, %add3A_248 : i32
        %swap3A_250 = arith.index_cast %add3A_249 : i32 to index
        %swap3A_251 = tpu.vector_load %arg14[%swap3A_250] {strides = array<i32>} : memref<32768xf32, #tpu.memory_space<vmem>>, vector<16xf32>,
        tpu.vector_store %arg14[%swap3A_250], %get3A_245 {strides = array<i32>} : memref<32768xf32, #tpu.memory_space<vmem>>, vector<16xf32>,
        %get3A_252 = arith.index_cast %add3A_249 : i32 to index
        %get3A_253 = tpu.vector_load %arg15[%get3A_252] {strides = array<i32>} : memref<32768xf32, #tpu.memory_space<vmem>>, vector<16xf32>,
        %mul3A_254 = arith.mulf %get3A_245, %broadcast_in_dim3A_243 : vector<16xf32>
        %add3A_255 = arith.addf %get3A_253, %mul3A_254 : vector<16xf32>
        %swap3A_256 = arith.index_cast %add3A_249 : i32 to index
        %swap3A_257 = tpu.vector_load %arg15[%swap3A_256] {strides = array<i32>} : memref<32768xf32, #tpu.memory_space<vmem>>, vector<16xf32>,
        tpu.vector_store %arg15[%swap3A_256], %add3A_255 {strides = array<i32>} : memref<32768xf32, #tpu.memory_space<vmem>>, vector<16xf32>,
        %get3A_258 = arith.constant 16 : index
        %get3A_259 = tpu.vector_load %arg26[%get3A_258] {strides = array<i32>} : memref<128xf32, #tpu.memory_space<vmem>>, vector<16xf32>,
        %mul3A_260 = arith.constant 128 : i32
        %mul3A_261 = arith.muli %and3A_71, %mul3A_260 : i32
        %add3A_262 = arith.constant 16 : i32
        %add3A_263 = arith.addi %mul3A_261, %add3A_262 : i32
        %swap3A_264 = arith.index_cast %add3A_263 : i32 to index
        %swap3A_265 = tpu.vector_load %arg14[%swap3A_264] {strides = array<i32>} : memref<32768xf32, #tpu.memory_space<vmem>>, vector<16xf32>,
        tpu.vector_store %arg14[%swap3A_264], %get3A_259 {strides = array<i32>} : memref<32768xf32, #tpu.memory_space<vmem>>, vector<16xf32>,
        %get3A_266 = arith.index_cast %add3A_263 : i32 to index
        %get3A_267 = tpu.vector_load %arg15[%get3A_266] {strides = array<i32>} : memref<32768xf32, #tpu.memory_space<vmem>>, vector<16xf32>,
        %mul3A_268 = arith.mulf %get3A_259, %broadcast_in_dim3A_243 : vector<16xf32>
        %add3A_269 = arith.addf %get3A_267, %mul3A_268 : vector<16xf32>
        %swap3A_270 = arith.index_cast %add3A_263 : i32 to index
        %swap3A_271 = tpu.vector_load %arg15[%swap3A_270] {strides = array<i32>} : memref<32768xf32, #tpu.memory_space<vmem>>, vector<16xf32>,
        tpu.vector_store %arg15[%swap3A_270], %add3A_269 {strides = array<i32>} : memref<32768xf32, #tpu.memory_space<vmem>>, vector<16xf32>,
        %get3A_272 = arith.constant 32 : index
        %get3A_273 = tpu.vector_load %arg26[%get3A_272] {strides = array<i32>} : memref<128xf32, #tpu.memory_space<vmem>>, vector<16xf32>,
        %mul3A_274 = arith.constant 128 : i32
        %mul3A_275 = arith.muli %and3A_71, %mul3A_274 : i32
        %add3A_276 = arith.constant 32 : i32
        %add3A_277 = arith.addi %mul3A_275, %add3A_276 : i32
        %swap3A_278 = arith.index_cast %add3A_277 : i32 to index
        %swap3A_279 = tpu.vector_load %arg14[%swap3A_278] {strides = array<i32>} : memref<32768xf32, #tpu.memory_space<vmem>>, vector<16xf32>,
        tpu.vector_store %arg14[%swap3A_278], %get3A_273 {strides = array<i32>} : memref<32768xf32, #tpu.memory_space<vmem>>, vector<16xf32>,
        %get3A_280 = arith.index_cast %add3A_277 : i32 to index
        %get3A_281 = tpu.vector_load %arg15[%get3A_280] {strides = array<i32>} : memref<32768xf32, #tpu.memory_space<vmem>>, vector<16xf32>,
        %mul3A_282 = arith.mulf %get3A_273, %broadcast_in_dim3A_243 : vector<16xf32>
        %add3A_283 = arith.addf %get3A_281, %mul3A_282 : vector<16xf32>
        %swap3A_284 = arith.index_cast %add3A_277 : i32 to index
        %swap3A_285 = tpu.vector_load %arg15[%swap3A_284] {strides = array<i32>} : memref<32768xf32, #tpu.memory_space<vmem>>, vector<16xf32>,
        tpu.vector_store %arg15[%swap3A_284], %add3A_283 {strides = array<i32>} : memref<32768xf32, #tpu.memory_space<vmem>>, vector<16xf32>,
        %get3A_286 = arith.constant 48 : index
        %get3A_287 = tpu.vector_load %arg26[%get3A_286] {strides = array<i32>} : memref<128xf32, #tpu.memory_space<vmem>>, vector<16xf32>,
        %mul3A_288 = arith.constant 128 : i32
        %mul3A_289 = arith.muli %and3A_71, %mul3A_288 : i32
        %add3A_290 = arith.constant 48 : i32
        %add3A_291 = arith.addi %mul3A_289, %add3A_290 : i32
        %swap3A_292 = arith.index_cast %add3A_291 : i32 to index
        %swap3A_293 = tpu.vector_load %arg14[%swap3A_292] {strides = array<i32>} : memref<32768xf32, #tpu.memory_space<vmem>>, vector<16xf32>,
        tpu.vector_store %arg14[%swap3A_292], %get3A_287 {strides = array<i32>} : memref<32768xf32, #tpu.memory_space<vmem>>, vector<16xf32>,
        %get3A_294 = arith.index_cast %add3A_291 : i32 to index
        %get3A_295 = tpu.vector_load %arg15[%get3A_294] {strides = array<i32>} : memref<32768xf32, #tpu.memory_space<vmem>>, vector<16xf32>,
        %mul3A_296 = arith.mulf %get3A_287, %broadcast_in_dim3A_243 : vector<16xf32>
        %add3A_297 = arith.addf %get3A_295, %mul3A_296 : vector<16xf32>
        %swap3A_298 = arith.index_cast %add3A_291 : i32 to index
        %swap3A_299 = tpu.vector_load %arg15[%swap3A_298] {strides = array<i32>} : memref<32768xf32, #tpu.memory_space<vmem>>, vector<16xf32>,
        tpu.vector_store %arg15[%swap3A_298], %add3A_297 {strides = array<i32>} : memref<32768xf32, #tpu.memory_space<vmem>>, vector<16xf32>,
        %get3A_300 = arith.constant 64 : index
        %get3A_301 = tpu.vector_load %arg26[%get3A_300] {strides = array<i32>} : memref<128xf32, #tpu.memory_space<vmem>>, vector<16xf32>,
        %mul3A_302 = arith.constant 128 : i32
        %mul3A_303 = arith.muli %and3A_71, %mul3A_302 : i32
        %add3A_304 = arith.constant 64 : i32
        %add3A_305 = arith.addi %mul3A_303, %add3A_304 : i32
        %swap3A_306 = arith.index_cast %add3A_305 : i32 to index
        %swap3A_307 = tpu.vector_load %arg14[%swap3A_306] {strides = array<i32>} : memref<32768xf32, #tpu.memory_space<vmem>>, vector<16xf32>,
        tpu.vector_store %arg14[%swap3A_306], %get3A_301 {strides = array<i32>} : memref<32768xf32, #tpu.memory_space<vmem>>, vector<16xf32>,
        %get3A_308 = arith.index_cast %add3A_305 : i32 to index
        %get3A_309 = tpu.vector_load %arg15[%get3A_308] {strides = array<i32>} : memref<32768xf32, #tpu.memory_space<vmem>>, vector<16xf32>,
        %mul3A_310 = arith.mulf %get3A_301, %broadcast_in_dim3A_243 : vector<16xf32>
        %add3A_311 = arith.addf %get3A_309, %mul3A_310 : vector<16xf32>
        %swap3A_312 = arith.index_cast %add3A_305 : i32 to index
        %swap3A_313 = tpu.vector_load %arg15[%swap3A_312] {strides = array<i32>} : memref<32768xf32, #tpu.memory_space<vmem>>, vector<16xf32>,
        tpu.vector_store %arg15[%swap3A_312], %add3A_311 {strides = array<i32>} : memref<32768xf32, #tpu.memory_space<vmem>>, vector<16xf32>,
        %get3A_314 = arith.constant 80 : index
        %get3A_315 = tpu.vector_load %arg26[%get3A_314] {strides = array<i32>} : memref<128xf32, #tpu.memory_space<vmem>>, vector<16xf32>,
        %mul3A_316 = arith.constant 128 : i32
        %mul3A_317 = arith.muli %and3A_71, %mul3A_316 : i32
        %add3A_318 = arith.constant 80 : i32
        %add3A_319 = arith.addi %mul3A_317, %add3A_318 : i32
        %swap3A_320 = arith.index_cast %add3A_319 : i32 to index
        %swap3A_321 = tpu.vector_load %arg14[%swap3A_320] {strides = array<i32>} : memref<32768xf32, #tpu.memory_space<vmem>>, vector<16xf32>,
        tpu.vector_store %arg14[%swap3A_320], %get3A_315 {strides = array<i32>} : memref<32768xf32, #tpu.memory_space<vmem>>, vector<16xf32>,
        %get3A_322 = arith.index_cast %add3A_319 : i32 to index
        %get3A_323 = tpu.vector_load %arg15[%get3A_322] {strides = array<i32>} : memref<32768xf32, #tpu.memory_space<vmem>>, vector<16xf32>,
        %mul3A_324 = arith.mulf %get3A_315, %broadcast_in_dim3A_243 : vector<16xf32>
        %add3A_325 = arith.addf %get3A_323, %mul3A_324 : vector<16xf32>
        %swap3A_326 = arith.index_cast %add3A_319 : i32 to index
        %swap3A_327 = tpu.vector_load %arg15[%swap3A_326] {strides = array<i32>} : memref<32768xf32, #tpu.memory_space<vmem>>, vector<16xf32>,
        tpu.vector_store %arg15[%swap3A_326], %add3A_325 {strides = array<i32>} : memref<32768xf32, #tpu.memory_space<vmem>>, vector<16xf32>,
        %get3A_328 = arith.constant 96 : index
        %get3A_329 = tpu.vector_load %arg26[%get3A_328] {strides = array<i32>} : memref<128xf32, #tpu.memory_space<vmem>>, vector<16xf32>,
        %mul3A_330 = arith.constant 128 : i32
        %mul3A_331 = arith.muli %and3A_71, %mul3A_330 : i32
        %add3A_332 = arith.constant 96 : i32
        %add3A_333 = arith.addi %mul3A_331, %add3A_332 : i32
        %swap3A_334 = arith.index_cast %add3A_333 : i32 to index
        %swap3A_335 = tpu.vector_load %arg14[%swap3A_334] {strides = array<i32>} : memref<32768xf32, #tpu.memory_space<vmem>>, vector<16xf32>,
        tpu.vector_store %arg14[%swap3A_334], %get3A_329 {strides = array<i32>} : memref<32768xf32, #tpu.memory_space<vmem>>, vector<16xf32>,
        %get3A_336 = arith.index_cast %add3A_333 : i32 to index
        %get3A_337 = tpu.vector_load %arg15[%get3A_336] {strides = array<i32>} : memref<32768xf32, #tpu.memory_space<vmem>>, vector<16xf32>,
        %mul3A_338 = arith.mulf %get3A_329, %broadcast_in_dim3A_243 : vector<16xf32>
        %add3A_339 = arith.addf %get3A_337, %mul3A_338 : vector<16xf32>
        %swap3A_340 = arith.index_cast %add3A_333 : i32 to index
        %swap3A_341 = tpu.vector_load %arg15[%swap3A_340] {strides = array<i32>} : memref<32768xf32, #tpu.memory_space<vmem>>, vector<16xf32>,
        tpu.vector_store %arg15[%swap3A_340], %add3A_339 {strides = array<i32>} : memref<32768xf32, #tpu.memory_space<vmem>>, vector<16xf32>,
        %get3A_342 = arith.constant 112 : index
        %get3A_343 = tpu.vector_load %arg26[%get3A_342] {strides = array<i32>} : memref<128xf32, #tpu.memory_space<vmem>>, vector<16xf32>,
        %mul3A_344 = arith.constant 128 : i32
        %mul3A_345 = arith.muli %and3A_71, %mul3A_344 : i32
        %add3A_346 = arith.constant 112 : i32
        %add3A_347 = arith.addi %mul3A_345, %add3A_346 : i32
        %swap3A_348 = arith.index_cast %add3A_347 : i32 to index
        %swap3A_349 = tpu.vector_load %arg14[%swap3A_348] {strides = array<i32>} : memref<32768xf32, #tpu.memory_space<vmem>>, vector<16xf32>,
        tpu.vector_store %arg14[%swap3A_348], %get3A_343 {strides = array<i32>} : memref<32768xf32, #tpu.memory_space<vmem>>, vector<16xf32>,
        %get3A_350 = arith.index_cast %add3A_347 : i32 to index
        %get3A_351 = tpu.vector_load %arg15[%get3A_350] {strides = array<i32>} : memref<32768xf32, #tpu.memory_space<vmem>>, vector<16xf32>,
        %mul3A_352 = arith.mulf %get3A_343, %broadcast_in_dim3A_243 : vector<16xf32>
        %add3A_353 = arith.addf %get3A_351, %mul3A_352 : vector<16xf32>
        %swap3A_354 = arith.index_cast %add3A_347 : i32 to index
        %swap3A_355 = tpu.vector_load %arg15[%swap3A_354] {strides = array<i32>} : memref<32768xf32, #tpu.memory_space<vmem>>, vector<16xf32>,
        tpu.vector_store %arg15[%swap3A_354], %add3A_353 {strides = array<i32>} : memref<32768xf32, #tpu.memory_space<vmem>>, vector<16xf32>,
        %ge3A = arith.constant 8 : i32
        %ge3A_356 = arith.cmpi sge, %arg1, %ge3A : i32
        %lt3A_357 = arith.constant 10 : i32
        %lt3A_358 = arith.cmpi slt, %arg1, %lt3A_357 : i32
        %and3A_359 = arith.andi %ge3A_356, %lt3A_358 : i1
        %convert_element_type3A_360 = arith.extui %and3A_359 : i1 to i32
        %cond3A_361 = arith.constant 0 : i32
        %cond3A_362 = arith.cmpi ne, %convert_element_type3A_360, %cond3A_361 : i32
        scf.if %cond3A_362 {
          %sub3A_372 = arith.constant 8 : i32
          %sub3A_373 = arith.subi %arg1, %sub3A_372 : i32
          %mul3A_374 = arith.constant 16 : i32
          %mul3A_375 = arith.muli %sub3A_373, %mul3A_374 : i32
          %scan3A_376 = arith.constant 0 : i32
          %scan3A_377 = arith.constant 8 : i32
          %scan3A_378 = arith.addi %scan3A_376, %scan3A_377 : i32
          %scan3A_379 = arith.constant 1 : i32
          %scan3A_380 = scf.for %scan3A_393 = %scan3A_376 to %scan3A_378 step %scan3A_379 iter_args(%scan3A_394 = %broadcast_in_dim3A_0) -> (vector<16xf32>)  : i32 {
            %mul3A_395 = arith.constant 16 : i32
            %mul3A_396 = arith.muli %scan3A_393, %mul3A_395 : i32
            %get3A_397 = arith.index_cast %mul3A_396 : i32 to index
            %get3A_398 = tpu.vector_load %arg26[%get3A_397] {strides = array<i32>} : memref<128xf32, #tpu.memory_space<vmem>>, vector<16xf32>,
            %broadcast_in_dim3A_399 = arith.constant 0 : i32
            %broadcast_in_dim3A_400 = vector.broadcast %broadcast_in_dim3A_399 : i32 to vector<16xi32>
            %reshape3A = vector.shape_cast %broadcast_in_dim3A_400 : vector<16xi32> to vector<16x1xi32>
            %gather3A_401 = vector.shape_cast %reshape3A : vector<16x1xi32> to vector<16xi32>
            %gather3A_402 = tpu.dynamic_gather %get3A_398[%gather3A_401] in [0] : vector<16xf32>, vector<16xi32> -> vector<16xf32>
            %mul3A_403 = arith.constant 16 : i32
            %mul3A_404 = arith.muli %scan3A_393, %mul3A_403 : i32
            %add3A_405 = arith.constant 0 : i32
            %add3A_406 = arith.addi %mul3A_404, %add3A_405 : i32
            %mul3A_407 = arith.constant 32 : i32
            %mul3A_408 = arith.muli %add3A_406, %mul3A_407 : i32
            %add3A_409 = arith.addi %mul3A_408, %mul3A_375 : i32
            %get3A_410 = arith.index_cast %add3A_409 : i32 to index
            %get3A_411 = tpu.vector_load %arg17[%get3A_410] {strides = array<i32>} : memref<5120xf32, #tpu.memory_space<vmem>>, vector<16xf32>,
            %mul3A_412 = arith.mulf %gather3A_402, %get3A_411 : vector<16xf32>
            %add3A_413 = arith.addf %scan3A_394, %mul3A_412 : vector<16xf32>
            %broadcast_in_dim3A_414 = arith.constant 1 : i32
            %broadcast_in_dim3A_415 = vector.broadcast %broadcast_in_dim3A_414 : i32 to vector<16xi32>
            %reshape3A_416 = vector.shape_cast %broadcast_in_dim3A_415 : vector<16xi32> to vector<16x1xi32>
            %gather3A_417 = vector.shape_cast %reshape3A_416 : vector<16x1xi32> to vector<16xi32>
            %gather3A_418 = tpu.dynamic_gather %get3A_398[%gather3A_417] in [0] : vector<16xf32>, vector<16xi32> -> vector<16xf32>
            %mul3A_419 = arith.constant 16 : i32
            %mul3A_420 = arith.muli %scan3A_393, %mul3A_419 : i32
            %add3A_421 = arith.constant 1 : i32
            %add3A_422 = arith.addi %mul3A_420, %add3A_421 : i32
            %mul3A_423 = arith.constant 32 : i32
            %mul3A_424 = arith.muli %add3A_422, %mul3A_423 : i32
            %add3A_425 = arith.addi %mul3A_424, %mul3A_375 : i32
            %get3A_426 = arith.index_cast %add3A_425 : i32 to index
            %get3A_427 = tpu.vector_load %arg17[%get3A_426] {strides = array<i32>} : memref<5120xf32, #tpu.memory_space<vmem>>, vector<16xf32>,
            %mul3A_428 = arith.mulf %gather3A_418, %get3A_427 : vector<16xf32>
            %add3A_429 = arith.addf %add3A_413, %mul3A_428 : vector<16xf32>
            %broadcast_in_dim3A_430 = arith.constant 2 : i32
            %broadcast_in_dim3A_431 = vector.broadcast %broadcast_in_dim3A_430 : i32 to vector<16xi32>
            %reshape3A_432 = vector.shape_cast %broadcast_in_dim3A_431 : vector<16xi32> to vector<16x1xi32>
            %gather3A_433 = vector.shape_cast %reshape3A_432 : vector<16x1xi32> to vector<16xi32>
            %gather3A_434 = tpu.dynamic_gather %get3A_398[%gather3A_433] in [0] : vector<16xf32>, vector<16xi32> -> vector<16xf32>
            %mul3A_435 = arith.constant 16 : i32
            %mul3A_436 = arith.muli %scan3A_393, %mul3A_435 : i32
            %add3A_437 = arith.constant 2 : i32
            %add3A_438 = arith.addi %mul3A_436, %add3A_437 : i32
            %mul3A_439 = arith.constant 32 : i32
            %mul3A_440 = arith.muli %add3A_438, %mul3A_439 : i32
            %add3A_441 = arith.addi %mul3A_440, %mul3A_375 : i32
            %get3A_442 = arith.index_cast %add3A_441 : i32 to index
            %get3A_443 = tpu.vector_load %arg17[%get3A_442] {strides = array<i32>} : memref<5120xf32, #tpu.memory_space<vmem>>, vector<16xf32>,
            %mul3A_444 = arith.mulf %gather3A_434, %get3A_443 : vector<16xf32>
            %add3A_445 = arith.addf %add3A_429, %mul3A_444 : vector<16xf32>
            %broadcast_in_dim3A_446 = arith.constant 3 : i32
            %broadcast_in_dim3A_447 = vector.broadcast %broadcast_in_dim3A_446 : i32 to vector<16xi32>
            %reshape3A_448 = vector.shape_cast %broadcast_in_dim3A_447 : vector<16xi32> to vector<16x1xi32>
            %gather3A_449 = vector.shape_cast %reshape3A_448 : vector<16x1xi32> to vector<16xi32>
            %gather3A_450 = tpu.dynamic_gather %get3A_398[%gather3A_449] in [0] : vector<16xf32>, vector<16xi32> -> vector<16xf32>
            %mul3A_451 = arith.constant 16 : i32
            %mul3A_452 = arith.muli %scan3A_393, %mul3A_451 : i32
            %add3A_453 = arith.constant 3 : i32
            %add3A_454 = arith.addi %mul3A_452, %add3A_453 : i32
            %mul3A_455 = arith.constant 32 : i32
            %mul3A_456 = arith.muli %add3A_454, %mul3A_455 : i32
            %add3A_457 = arith.addi %mul3A_456, %mul3A_375 : i32
            %get3A_458 = arith.index_cast %add3A_457 : i32 to index
            %get3A_459 = tpu.vector_load %arg17[%get3A_458] {strides = array<i32>} : memref<5120xf32, #tpu.memory_space<vmem>>, vector<16xf32>,
            %mul3A_460 = arith.mulf %gather3A_450, %get3A_459 : vector<16xf32>
            %add3A_461 = arith.addf %add3A_445, %mul3A_460 : vector<16xf32>
            %broadcast_in_dim3A_462 = arith.constant 4 : i32
            %broadcast_in_dim3A_463 = vector.broadcast %broadcast_in_dim3A_462 : i32 to vector<16xi32>
            %reshape3A_464 = vector.shape_cast %broadcast_in_dim3A_463 : vector<16xi32> to vector<16x1xi32>
            %gather3A_465 = vector.shape_cast %reshape3A_464 : vector<16x1xi32> to vector<16xi32>
            %gather3A_466 = tpu.dynamic_gather %get3A_398[%gather3A_465] in [0] : vector<16xf32>, vector<16xi32> -> vector<16xf32>
            %mul3A_467 = arith.constant 16 : i32
            %mul3A_468 = arith.muli %scan3A_393, %mul3A_467 : i32
            %add3A_469 = arith.constant 4 : i32
            %add3A_470 = arith.addi %mul3A_468, %add3A_469 : i32
            %mul3A_471 = arith.constant 32 : i32
            %mul3A_472 = arith.muli %add3A_470, %mul3A_471 : i32
            %add3A_473 = arith.addi %mul3A_472, %mul3A_375 : i32
            %get3A_474 = arith.index_cast %add3A_473 : i32 to index
            %get3A_475 = tpu.vector_load %arg17[%get3A_474] {strides = array<i32>} : memref<5120xf32, #tpu.memory_space<vmem>>, vector<16xf32>,
            %mul3A_476 = arith.mulf %gather3A_466, %get3A_475 : vector<16xf32>
            %add3A_477 = arith.addf %add3A_461, %mul3A_476 : vector<16xf32>
            %broadcast_in_dim3A_478 = arith.constant 5 : i32
            %broadcast_in_dim3A_479 = vector.broadcast %broadcast_in_dim3A_478 : i32 to vector<16xi32>
            %reshape3A_480 = vector.shape_cast %broadcast_in_dim3A_479 : vector<16xi32> to vector<16x1xi32>
            %gather3A_481 = vector.shape_cast %reshape3A_480 : vector<16x1xi32> to vector<16xi32>
            %gather3A_482 = tpu.dynamic_gather %get3A_398[%gather3A_481] in [0] : vector<16xf32>, vector<16xi32> -> vector<16xf32>
            %mul3A_483 = arith.constant 16 : i32
            %mul3A_484 = arith.muli %scan3A_393, %mul3A_483 : i32
            %add3A_485 = arith.constant 5 : i32
            %add3A_486 = arith.addi %mul3A_484, %add3A_485 : i32
            %mul3A_487 = arith.constant 32 : i32
            %mul3A_488 = arith.muli %add3A_486, %mul3A_487 : i32
            %add3A_489 = arith.addi %mul3A_488, %mul3A_375 : i32
            %get3A_490 = arith.index_cast %add3A_489 : i32 to index
            %get3A_491 = tpu.vector_load %arg17[%get3A_490] {strides = array<i32>} : memref<5120xf32, #tpu.memory_space<vmem>>, vector<16xf32>,
            %mul3A_492 = arith.mulf %gather3A_482, %get3A_491 : vector<16xf32>
            %add3A_493 = arith.addf %add3A_477, %mul3A_492 : vector<16xf32>
            %broadcast_in_dim3A_494 = arith.constant 6 : i32
            %broadcast_in_dim3A_495 = vector.broadcast %broadcast_in_dim3A_494 : i32 to vector<16xi32>
            %reshape3A_496 = vector.shape_cast %broadcast_in_dim3A_495 : vector<16xi32> to vector<16x1xi32>
            %gather3A_497 = vector.shape_cast %reshape3A_496 : vector<16x1xi32> to vector<16xi32>
            %gather3A_498 = tpu.dynamic_gather %get3A_398[%gather3A_497] in [0] : vector<16xf32>, vector<16xi32> -> vector<16xf32>
            %mul3A_499 = arith.constant 16 : i32
            %mul3A_500 = arith.muli %scan3A_393, %mul3A_499 : i32
            %add3A_501 = arith.constant 6 : i32
            %add3A_502 = arith.addi %mul3A_500, %add3A_501 : i32
            %mul3A_503 = arith.constant 32 : i32
            %mul3A_504 = arith.muli %add3A_502, %mul3A_503 : i32
            %add3A_505 = arith.addi %mul3A_504, %mul3A_375 : i32
            %get3A_506 = arith.index_cast %add3A_505 : i32 to index
            %get3A_507 = tpu.vector_load %arg17[%get3A_506] {strides = array<i32>} : memref<5120xf32, #tpu.memory_space<vmem>>, vector<16xf32>,
            %mul3A_508 = arith.mulf %gather3A_498, %get3A_507 : vector<16xf32>
            %add3A_509 = arith.addf %add3A_493, %mul3A_508 : vector<16xf32>
            %broadcast_in_dim3A_510 = arith.constant 7 : i32
            %broadcast_in_dim3A_511 = vector.broadcast %broadcast_in_dim3A_510 : i32 to vector<16xi32>
            %reshape3A_512 = vector.shape_cast %broadcast_in_dim3A_511 : vector<16xi32> to vector<16x1xi32>
            %gather3A_513 = vector.shape_cast %reshape3A_512 : vector<16x1xi32> to vector<16xi32>
            %gather3A_514 = tpu.dynamic_gather %get3A_398[%gather3A_513] in [0] : vector<16xf32>, vector<16xi32> -> vector<16xf32>
            %mul3A_515 = arith.constant 16 : i32
            %mul3A_516 = arith.muli %scan3A_393, %mul3A_515 : i32
            %add3A_517 = arith.constant 7 : i32
            %add3A_518 = arith.addi %mul3A_516, %add3A_517 : i32
            %mul3A_519 = arith.constant 32 : i32
            %mul3A_520 = arith.muli %add3A_518, %mul3A_519 : i32
            %add3A_521 = arith.addi %mul3A_520, %mul3A_375 : i32
            %get3A_522 = arith.index_cast %add3A_521 : i32 to index
            %get3A_523 = tpu.vector_load %arg17[%get3A_522] {strides = array<i32>} : memref<5120xf32, #tpu.memory_space<vmem>>, vector<16xf32>,
            %mul3A_524 = arith.mulf %gather3A_514, %get3A_523 : vector<16xf32>
            %add3A_525 = arith.addf %add3A_509, %mul3A_524 : vector<16xf32>
            %broadcast_in_dim3A_526 = arith.constant 8 : i32
            %broadcast_in_dim3A_527 = vector.broadcast %broadcast_in_dim3A_526 : i32 to vector<16xi32>
            %reshape3A_528 = vector.shape_cast %broadcast_in_dim3A_527 : vector<16xi32> to vector<16x1xi32>
            %gather3A_529 = vector.shape_cast %reshape3A_528 : vector<16x1xi32> to vector<16xi32>
            %gather3A_530 = tpu.dynamic_gather %get3A_398[%gather3A_529] in [0] : vector<16xf32>, vector<16xi32> -> vector<16xf32>
            %mul3A_531 = arith.constant 16 : i32
            %mul3A_532 = arith.muli %scan3A_393, %mul3A_531 : i32
            %add3A_533 = arith.constant 8 : i32
            %add3A_534 = arith.addi %mul3A_532, %add3A_533 : i32
            %mul3A_535 = arith.constant 32 : i32
            %mul3A_536 = arith.muli %add3A_534, %mul3A_535 : i32
            %add3A_537 = arith.addi %mul3A_536, %mul3A_375 : i32
            %get3A_538 = arith.index_cast %add3A_537 : i32 to index
            %get3A_539 = tpu.vector_load %arg17[%get3A_538] {strides = array<i32>} : memref<5120xf32, #tpu.memory_space<vmem>>, vector<16xf32>,
            %mul3A_540 = arith.mulf %gather3A_530, %get3A_539 : vector<16xf32>
            %add3A_541 = arith.addf %add3A_525, %mul3A_540 : vector<16xf32>
            %broadcast_in_dim3A_542 = arith.constant 9 : i32
            %broadcast_in_dim3A_543 = vector.broadcast %broadcast_in_dim3A_542 : i32 to vector<16xi32>
            %reshape3A_544 = vector.shape_cast %broadcast_in_dim3A_543 : vector<16xi32> to vector<16x1xi32>
            %gather3A_545 = vector.shape_cast %reshape3A_544 : vector<16x1xi32> to vector<16xi32>
            %gather3A_546 = tpu.dynamic_gather %get3A_398[%gather3A_545] in [0] : vector<16xf32>, vector<16xi32> -> vector<16xf32>
            %mul3A_547 = arith.constant 16 : i32
            %mul3A_548 = arith.muli %scan3A_393, %mul3A_547 : i32
            %add3A_549 = arith.constant 9 : i32
            %add3A_550 = arith.addi %mul3A_548, %add3A_549 : i32
            %mul3A_551 = arith.constant 32 : i32
            %mul3A_552 = arith.muli %add3A_550, %mul3A_551 : i32
            %add3A_553 = arith.addi %mul3A_552, %mul3A_375 : i32
            %get3A_554 = arith.index_cast %add3A_553 : i32 to index
            %get3A_555 = tpu.vector_load %arg17[%get3A_554] {strides = array<i32>} : memref<5120xf32, #tpu.memory_space<vmem>>, vector<16xf32>,
            %mul3A_556 = arith.mulf %gather3A_546, %get3A_555 : vector<16xf32>
            %add3A_557 = arith.addf %add3A_541, %mul3A_556 : vector<16xf32>
            %broadcast_in_dim3A_558 = arith.constant 10 : i32
            %broadcast_in_dim3A_559 = vector.broadcast %broadcast_in_dim3A_558 : i32 to vector<16xi32>
            %reshape3A_560 = vector.shape_cast %broadcast_in_dim3A_559 : vector<16xi32> to vector<16x1xi32>
            %gather3A_561 = vector.shape_cast %reshape3A_560 : vector<16x1xi32> to vector<16xi32>
            %gather3A_562 = tpu.dynamic_gather %get3A_398[%gather3A_561] in [0] : vector<16xf32>, vector<16xi32> -> vector<16xf32>
            %mul3A_563 = arith.constant 16 : i32
            %mul3A_564 = arith.muli %scan3A_393, %mul3A_563 : i32
            %add3A_565 = arith.constant 10 : i32
            %add3A_566 = arith.addi %mul3A_564, %add3A_565 : i32
            %mul3A_567 = arith.constant 32 : i32
            %mul3A_568 = arith.muli %add3A_566, %mul3A_567 : i32
            %add3A_569 = arith.addi %mul3A_568, %mul3A_375 : i32
            %get3A_570 = arith.index_cast %add3A_569 : i32 to index
            %get3A_571 = tpu.vector_load %arg17[%get3A_570] {strides = array<i32>} : memref<5120xf32, #tpu.memory_space<vmem>>, vector<16xf32>,
            %mul3A_572 = arith.mulf %gather3A_562, %get3A_571 : vector<16xf32>
            %add3A_573 = arith.addf %add3A_557, %mul3A_572 : vector<16xf32>
            %broadcast_in_dim3A_574 = arith.constant 11 : i32
            %broadcast_in_dim3A_575 = vector.broadcast %broadcast_in_dim3A_574 : i32 to vector<16xi32>
            %reshape3A_576 = vector.shape_cast %broadcast_in_dim3A_575 : vector<16xi32> to vector<16x1xi32>
            %gather3A_577 = vector.shape_cast %reshape3A_576 : vector<16x1xi32> to vector<16xi32>
            %gather3A_578 = tpu.dynamic_gather %get3A_398[%gather3A_577] in [0] : vector<16xf32>, vector<16xi32> -> vector<16xf32>
            %mul3A_579 = arith.constant 16 : i32
            %mul3A_580 = arith.muli %scan3A_393, %mul3A_579 : i32
            %add3A_581 = arith.constant 11 : i32
            %add3A_582 = arith.addi %mul3A_580, %add3A_581 : i32
            %mul3A_583 = arith.constant 32 : i32
            %mul3A_584 = arith.muli %add3A_582, %mul3A_583 : i32
            %add3A_585 = arith.addi %mul3A_584, %mul3A_375 : i32
            %get3A_586 = arith.index_cast %add3A_585 : i32 to index
            %get3A_587 = tpu.vector_load %arg17[%get3A_586] {strides = array<i32>} : memref<5120xf32, #tpu.memory_space<vmem>>, vector<16xf32>,
            %mul3A_588 = arith.mulf %gather3A_578, %get3A_587 : vector<16xf32>
            %add3A_589 = arith.addf %add3A_573, %mul3A_588 : vector<16xf32>
            %broadcast_in_dim3A_590 = arith.constant 12 : i32
            %broadcast_in_dim3A_591 = vector.broadcast %broadcast_in_dim3A_590 : i32 to vector<16xi32>
            %reshape3A_592 = vector.shape_cast %broadcast_in_dim3A_591 : vector<16xi32> to vector<16x1xi32>
            %gather3A_593 = vector.shape_cast %reshape3A_592 : vector<16x1xi32> to vector<16xi32>
            %gather3A_594 = tpu.dynamic_gather %get3A_398[%gather3A_593] in [0] : vector<16xf32>, vector<16xi32> -> vector<16xf32>
            %mul3A_595 = arith.constant 16 : i32
            %mul3A_596 = arith.muli %scan3A_393, %mul3A_595 : i32
            %add3A_597 = arith.constant 12 : i32
            %add3A_598 = arith.addi %mul3A_596, %add3A_597 : i32
            %mul3A_599 = arith.constant 32 : i32
            %mul3A_600 = arith.muli %add3A_598, %mul3A_599 : i32
            %add3A_601 = arith.addi %mul3A_600, %mul3A_375 : i32
            %get3A_602 = arith.index_cast %add3A_601 : i32 to index
            %get3A_603 = tpu.vector_load %arg17[%get3A_602] {strides = array<i32>} : memref<5120xf32, #tpu.memory_space<vmem>>, vector<16xf32>,
            %mul3A_604 = arith.mulf %gather3A_594, %get3A_603 : vector<16xf32>
            %add3A_605 = arith.addf %add3A_589, %mul3A_604 : vector<16xf32>
            %broadcast_in_dim3A_606 = arith.constant 13 : i32
            %broadcast_in_dim3A_607 = vector.broadcast %broadcast_in_dim3A_606 : i32 to vector<16xi32>
            %reshape3A_608 = vector.shape_cast %broadcast_in_dim3A_607 : vector<16xi32> to vector<16x1xi32>
            %gather3A_609 = vector.shape_cast %reshape3A_608 : vector<16x1xi32> to vector<16xi32>
            %gather3A_610 = tpu.dynamic_gather %get3A_398[%gather3A_609] in [0] : vector<16xf32>, vector<16xi32> -> vector<16xf32>
            %mul3A_611 = arith.constant 16 : i32
            %mul3A_612 = arith.muli %scan3A_393, %mul3A_611 : i32
            %add3A_613 = arith.constant 13 : i32
            %add3A_614 = arith.addi %mul3A_612, %add3A_613 : i32
            %mul3A_615 = arith.constant 32 : i32
            %mul3A_616 = arith.muli %add3A_614, %mul3A_615 : i32
            %add3A_617 = arith.addi %mul3A_616, %mul3A_375 : i32
            %get3A_618 = arith.index_cast %add3A_617 : i32 to index
            %get3A_619 = tpu.vector_load %arg17[%get3A_618] {strides = array<i32>} : memref<5120xf32, #tpu.memory_space<vmem>>, vector<16xf32>,
            %mul3A_620 = arith.mulf %gather3A_610, %get3A_619 : vector<16xf32>
            %add3A_621 = arith.addf %add3A_605, %mul3A_620 : vector<16xf32>
            %broadcast_in_dim3A_622 = arith.constant 14 : i32
            %broadcast_in_dim3A_623 = vector.broadcast %broadcast_in_dim3A_622 : i32 to vector<16xi32>
            %reshape3A_624 = vector.shape_cast %broadcast_in_dim3A_623 : vector<16xi32> to vector<16x1xi32>
            %gather3A_625 = vector.shape_cast %reshape3A_624 : vector<16x1xi32> to vector<16xi32>
            %gather3A_626 = tpu.dynamic_gather %get3A_398[%gather3A_625] in [0] : vector<16xf32>, vector<16xi32> -> vector<16xf32>
            %mul3A_627 = arith.constant 16 : i32
            %mul3A_628 = arith.muli %scan3A_393, %mul3A_627 : i32
            %add3A_629 = arith.constant 14 : i32
            %add3A_630 = arith.addi %mul3A_628, %add3A_629 : i32
            %mul3A_631 = arith.constant 32 : i32
            %mul3A_632 = arith.muli %add3A_630, %mul3A_631 : i32
            %add3A_633 = arith.addi %mul3A_632, %mul3A_375 : i32
            %get3A_634 = arith.index_cast %add3A_633 : i32 to index
            %get3A_635 = tpu.vector_load %arg17[%get3A_634] {strides = array<i32>} : memref<5120xf32, #tpu.memory_space<vmem>>, vector<16xf32>,
            %mul3A_636 = arith.mulf %gather3A_626, %get3A_635 : vector<16xf32>
            %add3A_637 = arith.addf %add3A_621, %mul3A_636 : vector<16xf32>
            %broadcast_in_dim3A_638 = arith.constant 15 : i32
            %broadcast_in_dim3A_639 = vector.broadcast %broadcast_in_dim3A_638 : i32 to vector<16xi32>
            %reshape3A_640 = vector.shape_cast %broadcast_in_dim3A_639 : vector<16xi32> to vector<16x1xi32>
            %gather3A_641 = vector.shape_cast %reshape3A_640 : vector<16x1xi32> to vector<16xi32>
            %gather3A_642 = tpu.dynamic_gather %get3A_398[%gather3A_641] in [0] : vector<16xf32>, vector<16xi32> -> vector<16xf32>
            %mul3A_643 = arith.constant 16 : i32
            %mul3A_644 = arith.muli %scan3A_393, %mul3A_643 : i32
            %add3A_645 = arith.constant 15 : i32
            %add3A_646 = arith.addi %mul3A_644, %add3A_645 : i32
            %mul3A_647 = arith.constant 32 : i32
            %mul3A_648 = arith.muli %add3A_646, %mul3A_647 : i32
            %add3A_649 = arith.addi %mul3A_648, %mul3A_375 : i32
            %get3A_650 = arith.index_cast %add3A_649 : i32 to index
            %get3A_651 = tpu.vector_load %arg17[%get3A_650] {strides = array<i32>} : memref<5120xf32, #tpu.memory_space<vmem>>, vector<16xf32>,
            %mul3A_652 = arith.mulf %gather3A_642, %get3A_651 : vector<16xf32>
            %add3A_653 = arith.addf %add3A_637, %mul3A_652 : vector<16xf32>
            scf.yield %add3A_653 : vector<16xf32>
          }
          %scan3A_381 = arith.constant 8 : i32
          %scan3A_382 = arith.constant 0 : i32
          %scan3A_383 = arith.constant 2 : i32
          %scan3A_384 = arith.addi %scan3A_382, %scan3A_383 : i32
          %scan3A_385 = arith.constant 1 : i32
          %scan3A_386 = scf.for %scan3A_393 = %scan3A_382 to %scan3A_384 step %scan3A_385 iter_args(%scan3A_394 = %scan3A_380) -> (vector<16xf32>)  : i32 {
            %mul3A_395 = arith.constant 16 : i32
            %mul3A_396 = arith.muli %scan3A_393, %mul3A_395 : i32
            %add3A_397 = arith.constant 128 : i32
            %add3A_398 = arith.addi %add3A_397, %mul3A_396 : i32
            %get3A_399 = arith.index_cast %add3A_398 : i32 to index
            %get3A_400 = tpu.vector_load %arg24[%get3A_399] {strides = array<i32>} : memref<160xf32, #tpu.memory_space<vmem>>, vector<16xf32>,
            %mul3A_401 = arith.constant 16 : i32
            %mul3A_402 = arith.muli %scan3A_393, %mul3A_401 : i32
            %add3A_403 = arith.constant 128 : i32
            %add3A_404 = arith.addi %add3A_403, %mul3A_402 : i32
            %add3A_405 = arith.constant 0 : i32
            %add3A_406 = arith.addi %add3A_404, %add3A_405 : i32
            %broadcast_in_dim3A_407 = arith.constant 0 : i32
            %broadcast_in_dim3A_408 = vector.broadcast %broadcast_in_dim3A_407 : i32 to vector<16xi32>
            %reshape3A = vector.shape_cast %broadcast_in_dim3A_408 : vector<16xi32> to vector<16x1xi32>
            %gather3A_409 = vector.shape_cast %reshape3A : vector<16x1xi32> to vector<16xi32>
            %gather3A_410 = tpu.dynamic_gather %get3A_400[%gather3A_409] in [0] : vector<16xf32>, vector<16xi32> -> vector<16xf32>
            %mul3A_411 = arith.constant 32 : i32
            %mul3A_412 = arith.muli %add3A_406, %mul3A_411 : i32
            %add3A_413 = arith.addi %mul3A_412, %mul3A_375 : i32
            %get3A_414 = arith.index_cast %add3A_413 : i32 to index
            %get3A_415 = tpu.vector_load %arg17[%get3A_414] {strides = array<i32>} : memref<5120xf32, #tpu.memory_space<vmem>>, vector<16xf32>,
            %mul3A_416 = arith.mulf %gather3A_410, %get3A_415 : vector<16xf32>
            %add3A_417 = arith.addf %scan3A_394, %mul3A_416 : vector<16xf32>
            %mul3A_418 = arith.constant 16 : i32
            %mul3A_419 = arith.muli %scan3A_393, %mul3A_418 : i32
            %add3A_420 = arith.constant 128 : i32
            %add3A_421 = arith.addi %add3A_420, %mul3A_419 : i32
            %add3A_422 = arith.constant 1 : i32
            %add3A_423 = arith.addi %add3A_421, %add3A_422 : i32
            %broadcast_in_dim3A_424 = arith.constant 1 : i32
            %broadcast_in_dim3A_425 = vector.broadcast %broadcast_in_dim3A_424 : i32 to vector<16xi32>
            %reshape3A_426 = vector.shape_cast %broadcast_in_dim3A_425 : vector<16xi32> to vector<16x1xi32>
            %gather3A_427 = vector.shape_cast %reshape3A_426 : vector<16x1xi32> to vector<16xi32>
            %gather3A_428 = tpu.dynamic_gather %get3A_400[%gather3A_427] in [0] : vector<16xf32>, vector<16xi32> -> vector<16xf32>
            %mul3A_429 = arith.constant 32 : i32
            %mul3A_430 = arith.muli %add3A_423, %mul3A_429 : i32
            %add3A_431 = arith.addi %mul3A_430, %mul3A_375 : i32
            %get3A_432 = arith.index_cast %add3A_431 : i32 to index
            %get3A_433 = tpu.vector_load %arg17[%get3A_432] {strides = array<i32>} : memref<5120xf32, #tpu.memory_space<vmem>>, vector<16xf32>,
            %mul3A_434 = arith.mulf %gather3A_428, %get3A_433 : vector<16xf32>
            %add3A_435 = arith.addf %add3A_417, %mul3A_434 : vector<16xf32>
            %mul3A_436 = arith.constant 16 : i32
            %mul3A_437 = arith.muli %scan3A_393, %mul3A_436 : i32
            %add3A_438 = arith.constant 128 : i32
            %add3A_439 = arith.addi %add3A_438, %mul3A_437 : i32
            %add3A_440 = arith.constant 2 : i32
            %add3A_441 = arith.addi %add3A_439, %add3A_440 : i32
            %broadcast_in_dim3A_442 = arith.constant 2 : i32
            %broadcast_in_dim3A_443 = vector.broadcast %broadcast_in_dim3A_442 : i32 to vector<16xi32>
            %reshape3A_444 = vector.shape_cast %broadcast_in_dim3A_443 : vector<16xi32> to vector<16x1xi32>
            %gather3A_445 = vector.shape_cast %reshape3A_444 : vector<16x1xi32> to vector<16xi32>
            %gather3A_446 = tpu.dynamic_gather %get3A_400[%gather3A_445] in [0] : vector<16xf32>, vector<16xi32> -> vector<16xf32>
            %mul3A_447 = arith.constant 32 : i32
            %mul3A_448 = arith.muli %add3A_441, %mul3A_447 : i32
            %add3A_449 = arith.addi %mul3A_448, %mul3A_375 : i32
            %get3A_450 = arith.index_cast %add3A_449 : i32 to index
            %get3A_451 = tpu.vector_load %arg17[%get3A_450] {strides = array<i32>} : memref<5120xf32, #tpu.memory_space<vmem>>, vector<16xf32>,
            %mul3A_452 = arith.mulf %gather3A_446, %get3A_451 : vector<16xf32>
            %add3A_453 = arith.addf %add3A_435, %mul3A_452 : vector<16xf32>
            %mul3A_454 = arith.constant 16 : i32
            %mul3A_455 = arith.muli %scan3A_393, %mul3A_454 : i32
            %add3A_456 = arith.constant 128 : i32
            %add3A_457 = arith.addi %add3A_456, %mul3A_455 : i32
            %add3A_458 = arith.constant 3 : i32
            %add3A_459 = arith.addi %add3A_457, %add3A_458 : i32
            %broadcast_in_dim3A_460 = arith.constant 3 : i32
            %broadcast_in_dim3A_461 = vector.broadcast %broadcast_in_dim3A_460 : i32 to vector<16xi32>
            %reshape3A_462 = vector.shape_cast %broadcast_in_dim3A_461 : vector<16xi32> to vector<16x1xi32>
            %gather3A_463 = vector.shape_cast %reshape3A_462 : vector<16x1xi32> to vector<16xi32>
            %gather3A_464 = tpu.dynamic_gather %get3A_400[%gather3A_463] in [0] : vector<16xf32>, vector<16xi32> -> vector<16xf32>
            %mul3A_465 = arith.constant 32 : i32
            %mul3A_466 = arith.muli %add3A_459, %mul3A_465 : i32
            %add3A_467 = arith.addi %mul3A_466, %mul3A_375 : i32
            %get3A_468 = arith.index_cast %add3A_467 : i32 to index
            %get3A_469 = tpu.vector_load %arg17[%get3A_468] {strides = array<i32>} : memref<5120xf32, #tpu.memory_space<vmem>>, vector<16xf32>,
            %mul3A_470 = arith.mulf %gather3A_464, %get3A_469 : vector<16xf32>
            %add3A_471 = arith.addf %add3A_453, %mul3A_470 : vector<16xf32>
            %mul3A_472 = arith.constant 16 : i32
            %mul3A_473 = arith.muli %scan3A_393, %mul3A_472 : i32
            %add3A_474 = arith.constant 128 : i32
            %add3A_475 = arith.addi %add3A_474, %mul3A_473 : i32
            %add3A_476 = arith.constant 4 : i32
            %add3A_477 = arith.addi %add3A_475, %add3A_476 : i32
            %broadcast_in_dim3A_478 = arith.constant 4 : i32
            %broadcast_in_dim3A_479 = vector.broadcast %broadcast_in_dim3A_478 : i32 to vector<16xi32>
            %reshape3A_480 = vector.shape_cast %broadcast_in_dim3A_479 : vector<16xi32> to vector<16x1xi32>
            %gather3A_481 = vector.shape_cast %reshape3A_480 : vector<16x1xi32> to vector<16xi32>
            %gather3A_482 = tpu.dynamic_gather %get3A_400[%gather3A_481] in [0] : vector<16xf32>, vector<16xi32> -> vector<16xf32>
            %mul3A_483 = arith.constant 32 : i32
            %mul3A_484 = arith.muli %add3A_477, %mul3A_483 : i32
            %add3A_485 = arith.addi %mul3A_484, %mul3A_375 : i32
            %get3A_486 = arith.index_cast %add3A_485 : i32 to index
            %get3A_487 = tpu.vector_load %arg17[%get3A_486] {strides = array<i32>} : memref<5120xf32, #tpu.memory_space<vmem>>, vector<16xf32>,
            %mul3A_488 = arith.mulf %gather3A_482, %get3A_487 : vector<16xf32>
            %add3A_489 = arith.addf %add3A_471, %mul3A_488 : vector<16xf32>
            %mul3A_490 = arith.constant 16 : i32
            %mul3A_491 = arith.muli %scan3A_393, %mul3A_490 : i32
            %add3A_492 = arith.constant 128 : i32
            %add3A_493 = arith.addi %add3A_492, %mul3A_491 : i32
            %add3A_494 = arith.constant 5 : i32
            %add3A_495 = arith.addi %add3A_493, %add3A_494 : i32
            %broadcast_in_dim3A_496 = arith.constant 5 : i32
            %broadcast_in_dim3A_497 = vector.broadcast %broadcast_in_dim3A_496 : i32 to vector<16xi32>
            %reshape3A_498 = vector.shape_cast %broadcast_in_dim3A_497 : vector<16xi32> to vector<16x1xi32>
            %gather3A_499 = vector.shape_cast %reshape3A_498 : vector<16x1xi32> to vector<16xi32>
            %gather3A_500 = tpu.dynamic_gather %get3A_400[%gather3A_499] in [0] : vector<16xf32>, vector<16xi32> -> vector<16xf32>
            %mul3A_501 = arith.constant 32 : i32
            %mul3A_502 = arith.muli %add3A_495, %mul3A_501 : i32
            %add3A_503 = arith.addi %mul3A_502, %mul3A_375 : i32
            %get3A_504 = arith.index_cast %add3A_503 : i32 to index
            %get3A_505 = tpu.vector_load %arg17[%get3A_504] {strides = array<i32>} : memref<5120xf32, #tpu.memory_space<vmem>>, vector<16xf32>,
            %mul3A_506 = arith.mulf %gather3A_500, %get3A_505 : vector<16xf32>
            %add3A_507 = arith.addf %add3A_489, %mul3A_506 : vector<16xf32>
            %mul3A_508 = arith.constant 16 : i32
            %mul3A_509 = arith.muli %scan3A_393, %mul3A_508 : i32
            %add3A_510 = arith.constant 128 : i32
            %add3A_511 = arith.addi %add3A_510, %mul3A_509 : i32
            %add3A_512 = arith.constant 6 : i32
            %add3A_513 = arith.addi %add3A_511, %add3A_512 : i32
            %broadcast_in_dim3A_514 = arith.constant 6 : i32
            %broadcast_in_dim3A_515 = vector.broadcast %broadcast_in_dim3A_514 : i32 to vector<16xi32>
            %reshape3A_516 = vector.shape_cast %broadcast_in_dim3A_515 : vector<16xi32> to vector<16x1xi32>
            %gather3A_517 = vector.shape_cast %reshape3A_516 : vector<16x1xi32> to vector<16xi32>
            %gather3A_518 = tpu.dynamic_gather %get3A_400[%gather3A_517] in [0] : vector<16xf32>, vector<16xi32> -> vector<16xf32>
            %mul3A_519 = arith.constant 32 : i32
            %mul3A_520 = arith.muli %add3A_513, %mul3A_519 : i32
            %add3A_521 = arith.addi %mul3A_520, %mul3A_375 : i32
            %get3A_522 = arith.index_cast %add3A_521 : i32 to index
            %get3A_523 = tpu.vector_load %arg17[%get3A_522] {strides = array<i32>} : memref<5120xf32, #tpu.memory_space<vmem>>, vector<16xf32>,
            %mul3A_524 = arith.mulf %gather3A_518, %get3A_523 : vector<16xf32>
            %add3A_525 = arith.addf %add3A_507, %mul3A_524 : vector<16xf32>
            %mul3A_526 = arith.constant 16 : i32
            %mul3A_527 = arith.muli %scan3A_393, %mul3A_526 : i32
            %add3A_528 = arith.constant 128 : i32
            %add3A_529 = arith.addi %add3A_528, %mul3A_527 : i32
            %add3A_530 = arith.constant 7 : i32
            %add3A_531 = arith.addi %add3A_529, %add3A_530 : i32
            %broadcast_in_dim3A_532 = arith.constant 7 : i32
            %broadcast_in_dim3A_533 = vector.broadcast %broadcast_in_dim3A_532 : i32 to vector<16xi32>
            %reshape3A_534 = vector.shape_cast %broadcast_in_dim3A_533 : vector<16xi32> to vector<16x1xi32>
            %gather3A_535 = vector.shape_cast %reshape3A_534 : vector<16x1xi32> to vector<16xi32>
            %gather3A_536 = tpu.dynamic_gather %get3A_400[%gather3A_535] in [0] : vector<16xf32>, vector<16xi32> -> vector<16xf32>
            %mul3A_537 = arith.constant 32 : i32
            %mul3A_538 = arith.muli %add3A_531, %mul3A_537 : i32
            %add3A_539 = arith.addi %mul3A_538, %mul3A_375 : i32
            %get3A_540 = arith.index_cast %add3A_539 : i32 to index
            %get3A_541 = tpu.vector_load %arg17[%get3A_540] {strides = array<i32>} : memref<5120xf32, #tpu.memory_space<vmem>>, vector<16xf32>,
            %mul3A_542 = arith.mulf %gather3A_536, %get3A_541 : vector<16xf32>
            %add3A_543 = arith.addf %add3A_525, %mul3A_542 : vector<16xf32>
            %mul3A_544 = arith.constant 16 : i32
            %mul3A_545 = arith.muli %scan3A_393, %mul3A_544 : i32
            %add3A_546 = arith.constant 128 : i32
            %add3A_547 = arith.addi %add3A_546, %mul3A_545 : i32
            %add3A_548 = arith.constant 8 : i32
            %add3A_549 = arith.addi %add3A_547, %add3A_548 : i32
            %broadcast_in_dim3A_550 = arith.constant 8 : i32
            %broadcast_in_dim3A_551 = vector.broadcast %broadcast_in_dim3A_550 : i32 to vector<16xi32>
            %reshape3A_552 = vector.shape_cast %broadcast_in_dim3A_551 : vector<16xi32> to vector<16x1xi32>
            %gather3A_553 = vector.shape_cast %reshape3A_552 : vector<16x1xi32> to vector<16xi32>
            %gather3A_554 = tpu.dynamic_gather %get3A_400[%gather3A_553] in [0] : vector<16xf32>, vector<16xi32> -> vector<16xf32>
            %mul3A_555 = arith.constant 32 : i32
            %mul3A_556 = arith.muli %add3A_549, %mul3A_555 : i32
            %add3A_557 = arith.addi %mul3A_556, %mul3A_375 : i32
            %get3A_558 = arith.index_cast %add3A_557 : i32 to index
            %get3A_559 = tpu.vector_load %arg17[%get3A_558] {strides = array<i32>} : memref<5120xf32, #tpu.memory_space<vmem>>, vector<16xf32>,
            %mul3A_560 = arith.mulf %gather3A_554, %get3A_559 : vector<16xf32>
            %add3A_561 = arith.addf %add3A_543, %mul3A_560 : vector<16xf32>
            %mul3A_562 = arith.constant 16 : i32
            %mul3A_563 = arith.muli %scan3A_393, %mul3A_562 : i32
            %add3A_564 = arith.constant 128 : i32
            %add3A_565 = arith.addi %add3A_564, %mul3A_563 : i32
            %add3A_566 = arith.constant 9 : i32
            %add3A_567 = arith.addi %add3A_565, %add3A_566 : i32
            %broadcast_in_dim3A_568 = arith.constant 9 : i32
            %broadcast_in_dim3A_569 = vector.broadcast %broadcast_in_dim3A_568 : i32 to vector<16xi32>
            %reshape3A_570 = vector.shape_cast %broadcast_in_dim3A_569 : vector<16xi32> to vector<16x1xi32>
            %gather3A_571 = vector.shape_cast %reshape3A_570 : vector<16x1xi32> to vector<16xi32>
            %gather3A_572 = tpu.dynamic_gather %get3A_400[%gather3A_571] in [0] : vector<16xf32>, vector<16xi32> -> vector<16xf32>
            %mul3A_573 = arith.constant 32 : i32
            %mul3A_574 = arith.muli %add3A_567, %mul3A_573 : i32
            %add3A_575 = arith.addi %mul3A_574, %mul3A_375 : i32
            %get3A_576 = arith.index_cast %add3A_575 : i32 to index
            %get3A_577 = tpu.vector_load %arg17[%get3A_576] {strides = array<i32>} : memref<5120xf32, #tpu.memory_space<vmem>>, vector<16xf32>,
            %mul3A_578 = arith.mulf %gather3A_572, %get3A_577 : vector<16xf32>
            %add3A_579 = arith.addf %add3A_561, %mul3A_578 : vector<16xf32>
            %mul3A_580 = arith.constant 16 : i32
            %mul3A_581 = arith.muli %scan3A_393, %mul3A_580 : i32
            %add3A_582 = arith.constant 128 : i32
            %add3A_583 = arith.addi %add3A_582, %mul3A_581 : i32
            %add3A_584 = arith.constant 10 : i32
            %add3A_585 = arith.addi %add3A_583, %add3A_584 : i32
            %broadcast_in_dim3A_586 = arith.constant 10 : i32
            %broadcast_in_dim3A_587 = vector.broadcast %broadcast_in_dim3A_586 : i32 to vector<16xi32>
            %reshape3A_588 = vector.shape_cast %broadcast_in_dim3A_587 : vector<16xi32> to vector<16x1xi32>
            %gather3A_589 = vector.shape_cast %reshape3A_588 : vector<16x1xi32> to vector<16xi32>
            %gather3A_590 = tpu.dynamic_gather %get3A_400[%gather3A_589] in [0] : vector<16xf32>, vector<16xi32> -> vector<16xf32>
            %mul3A_591 = arith.constant 32 : i32
            %mul3A_592 = arith.muli %add3A_585, %mul3A_591 : i32
            %add3A_593 = arith.addi %mul3A_592, %mul3A_375 : i32
            %get3A_594 = arith.index_cast %add3A_593 : i32 to index
            %get3A_595 = tpu.vector_load %arg17[%get3A_594] {strides = array<i32>} : memref<5120xf32, #tpu.memory_space<vmem>>, vector<16xf32>,
            %mul3A_596 = arith.mulf %gather3A_590, %get3A_595 : vector<16xf32>
            %add3A_597 = arith.addf %add3A_579, %mul3A_596 : vector<16xf32>
            %mul3A_598 = arith.constant 16 : i32
            %mul3A_599 = arith.muli %scan3A_393, %mul3A_598 : i32
            %add3A_600 = arith.constant 128 : i32
            %add3A_601 = arith.addi %add3A_600, %mul3A_599 : i32
            %add3A_602 = arith.constant 11 : i32
            %add3A_603 = arith.addi %add3A_601, %add3A_602 : i32
            %broadcast_in_dim3A_604 = arith.constant 11 : i32
            %broadcast_in_dim3A_605 = vector.broadcast %broadcast_in_dim3A_604 : i32 to vector<16xi32>
            %reshape3A_606 = vector.shape_cast %broadcast_in_dim3A_605 : vector<16xi32> to vector<16x1xi32>
            %gather3A_607 = vector.shape_cast %reshape3A_606 : vector<16x1xi32> to vector<16xi32>
            %gather3A_608 = tpu.dynamic_gather %get3A_400[%gather3A_607] in [0] : vector<16xf32>, vector<16xi32> -> vector<16xf32>
            %mul3A_609 = arith.constant 32 : i32
            %mul3A_610 = arith.muli %add3A_603, %mul3A_609 : i32
            %add3A_611 = arith.addi %mul3A_610, %mul3A_375 : i32
            %get3A_612 = arith.index_cast %add3A_611 : i32 to index
            %get3A_613 = tpu.vector_load %arg17[%get3A_612] {strides = array<i32>} : memref<5120xf32, #tpu.memory_space<vmem>>, vector<16xf32>,
            %mul3A_614 = arith.mulf %gather3A_608, %get3A_613 : vector<16xf32>
            %add3A_615 = arith.addf %add3A_597, %mul3A_614 : vector<16xf32>
            %mul3A_616 = arith.constant 16 : i32
            %mul3A_617 = arith.muli %scan3A_393, %mul3A_616 : i32
            %add3A_618 = arith.constant 128 : i32
            %add3A_619 = arith.addi %add3A_618, %mul3A_617 : i32
            %add3A_620 = arith.constant 12 : i32
            %add3A_621 = arith.addi %add3A_619, %add3A_620 : i32
            %broadcast_in_dim3A_622 = arith.constant 12 : i32
            %broadcast_in_dim3A_623 = vector.broadcast %broadcast_in_dim3A_622 : i32 to vector<16xi32>
            %reshape3A_624 = vector.shape_cast %broadcast_in_dim3A_623 : vector<16xi32> to vector<16x1xi32>
            %gather3A_625 = vector.shape_cast %reshape3A_624 : vector<16x1xi32> to vector<16xi32>
            %gather3A_626 = tpu.dynamic_gather %get3A_400[%gather3A_625] in [0] : vector<16xf32>, vector<16xi32> -> vector<16xf32>
            %mul3A_627 = arith.constant 32 : i32
            %mul3A_628 = arith.muli %add3A_621, %mul3A_627 : i32
            %add3A_629 = arith.addi %mul3A_628, %mul3A_375 : i32
            %get3A_630 = arith.index_cast %add3A_629 : i32 to index
            %get3A_631 = tpu.vector_load %arg17[%get3A_630] {strides = array<i32>} : memref<5120xf32, #tpu.memory_space<vmem>>, vector<16xf32>,
            %mul3A_632 = arith.mulf %gather3A_626, %get3A_631 : vector<16xf32>
            %add3A_633 = arith.addf %add3A_615, %mul3A_632 : vector<16xf32>
            %mul3A_634 = arith.constant 16 : i32
            %mul3A_635 = arith.muli %scan3A_393, %mul3A_634 : i32
            %add3A_636 = arith.constant 128 : i32
            %add3A_637 = arith.addi %add3A_636, %mul3A_635 : i32
            %add3A_638 = arith.constant 13 : i32
            %add3A_639 = arith.addi %add3A_637, %add3A_638 : i32
            %broadcast_in_dim3A_640 = arith.constant 13 : i32
            %broadcast_in_dim3A_641 = vector.broadcast %broadcast_in_dim3A_640 : i32 to vector<16xi32>
            %reshape3A_642 = vector.shape_cast %broadcast_in_dim3A_641 : vector<16xi32> to vector<16x1xi32>
            %gather3A_643 = vector.shape_cast %reshape3A_642 : vector<16x1xi32> to vector<16xi32>
            %gather3A_644 = tpu.dynamic_gather %get3A_400[%gather3A_643] in [0] : vector<16xf32>, vector<16xi32> -> vector<16xf32>
            %mul3A_645 = arith.constant 32 : i32
            %mul3A_646 = arith.muli %add3A_639, %mul3A_645 : i32
            %add3A_647 = arith.addi %mul3A_646, %mul3A_375 : i32
            %get3A_648 = arith.index_cast %add3A_647 : i32 to index
            %get3A_649 = tpu.vector_load %arg17[%get3A_648] {strides = array<i32>} : memref<5120xf32, #tpu.memory_space<vmem>>, vector<16xf32>,
            %mul3A_650 = arith.mulf %gather3A_644, %get3A_649 : vector<16xf32>
            %add3A_651 = arith.addf %add3A_633, %mul3A_650 : vector<16xf32>
            %mul3A_652 = arith.constant 16 : i32
            %mul3A_653 = arith.muli %scan3A_393, %mul3A_652 : i32
            %add3A_654 = arith.constant 128 : i32
            %add3A_655 = arith.addi %add3A_654, %mul3A_653 : i32
            %add3A_656 = arith.constant 14 : i32
            %add3A_657 = arith.addi %add3A_655, %add3A_656 : i32
            %broadcast_in_dim3A_658 = arith.constant 14 : i32
            %broadcast_in_dim3A_659 = vector.broadcast %broadcast_in_dim3A_658 : i32 to vector<16xi32>
            %reshape3A_660 = vector.shape_cast %broadcast_in_dim3A_659 : vector<16xi32> to vector<16x1xi32>
            %gather3A_661 = vector.shape_cast %reshape3A_660 : vector<16x1xi32> to vector<16xi32>
            %gather3A_662 = tpu.dynamic_gather %get3A_400[%gather3A_661] in [0] : vector<16xf32>, vector<16xi32> -> vector<16xf32>
            %mul3A_663 = arith.constant 32 : i32
            %mul3A_664 = arith.muli %add3A_657, %mul3A_663 : i32
            %add3A_665 = arith.addi %mul3A_664, %mul3A_375 : i32
            %get3A_666 = arith.index_cast %add3A_665 : i32 to index
            %get3A_667 = tpu.vector_load %arg17[%get3A_666] {strides = array<i32>} : memref<5120xf32, #tpu.memory_space<vmem>>, vector<16xf32>,
            %mul3A_668 = arith.mulf %gather3A_662, %get3A_667 : vector<16xf32>
            %add3A_669 = arith.addf %add3A_651, %mul3A_668 : vector<16xf32>
            %mul3A_670 = arith.constant 16 : i32
            %mul3A_671 = arith.muli %scan3A_393, %mul3A_670 : i32
            %add3A_672 = arith.constant 128 : i32
            %add3A_673 = arith.addi %add3A_672, %mul3A_671 : i32
            %add3A_674 = arith.constant 15 : i32
            %add3A_675 = arith.addi %add3A_673, %add3A_674 : i32
            %broadcast_in_dim3A_676 = arith.constant 15 : i32
            %broadcast_in_dim3A_677 = vector.broadcast %broadcast_in_dim3A_676 : i32 to vector<16xi32>
            %reshape3A_678 = vector.shape_cast %broadcast_in_dim3A_677 : vector<16xi32> to vector<16x1xi32>
            %gather3A_679 = vector.shape_cast %reshape3A_678 : vector<16x1xi32> to vector<16xi32>
            %gather3A_680 = tpu.dynamic_gather %get3A_400[%gather3A_679] in [0] : vector<16xf32>, vector<16xi32> -> vector<16xf32>
            %mul3A_681 = arith.constant 32 : i32
            %mul3A_682 = arith.muli %add3A_675, %mul3A_681 : i32
            %add3A_683 = arith.addi %mul3A_682, %mul3A_375 : i32
            %get3A_684 = arith.index_cast %add3A_683 : i32 to index
            %get3A_685 = tpu.vector_load %arg17[%get3A_684] {strides = array<i32>} : memref<5120xf32, #tpu.memory_space<vmem>>, vector<16xf32>,
            %mul3A_686 = arith.mulf %gather3A_680, %get3A_685 : vector<16xf32>
            %add3A_687 = arith.addf %add3A_669, %mul3A_686 : vector<16xf32>
            scf.yield %add3A_687 : vector<16xf32>
          }
          %scan3A_387 = arith.constant 2 : i32
          %get3A_388 = arith.index_cast %mul3A_375 : i32 to index
          %get3A_389 = tpu.vector_load %arg20[%get3A_388] {strides = array<i32>} : memref<32xf32, #tpu.memory_space<vmem>>, vector<16xf32>,
          %add3A_390 = arith.addf %scan3A_386, %get3A_389 : vector<16xf32>
          %swap3A_391 = arith.constant 0 : index
          %swap3A_392 = tpu.vector_load %arg27[%swap3A_391] {strides = array<i32>} : memref<16xf32, #tpu.memory_space<vmem>>, vector<16xf32>,
          tpu.vector_store %arg27[%swap3A_391], %add3A_390 {strides = array<i32>} : memref<16xf32, #tpu.memory_space<vmem>>, vector<16xf32>,
          "tpu.region"() ({
            %run_scoped3A = tpu.sem_alloc : memref<!tpu.dma_semaphore, #tpu.memory_space<semaphore_mem>>
            %dma_start3A = tpu.memref_slice %arg30[%while3A_37, %mul3A_375] : memref<2816x32xf32, #tpu.memory_space<vmem_shared>> -> memref<1x16xf32, #tpu.memory_space<vmem_shared>>
            %dma_start3A_393 = tpu.memref_squeeze %dma_start3A : memref<1x16xf32, #tpu.memory_space<vmem_shared>> -> memref<16xf32, #tpu.memory_space<vmem_shared>>
            %dma_start3A_394 = tpu.memref_slice %arg30[%while3A_37, %mul3A_375] : memref<2816x32xf32, #tpu.memory_space<vmem_shared>> -> memref<1x16xf32, #tpu.memory_space<vmem_shared>>
            %dma_start3A_395 = tpu.memref_squeeze %dma_start3A_394 : memref<1x16xf32, #tpu.memory_space<vmem_shared>> -> memref<16xf32, #tpu.memory_space<vmem_shared>>
            tpu.enqueue_dma source(%arg27 : memref<16xf32, #tpu.memory_space<vmem>>) target(%dma_start3A_395 : memref<16xf32, #tpu.memory_space<vmem_shared>>) target_semaphore(%run_scoped3A : memref<!tpu.dma_semaphore, #tpu.memory_space<semaphore_mem>>)
            %dma_wait3A = tpu.memref_slice %arg30[%while3A_37, %mul3A_375] : memref<2816x32xf32, #tpu.memory_space<vmem_shared>> -> memref<1x16xf32, #tpu.memory_space<vmem_shared>>
            %dma_wait3A_396 = tpu.memref_squeeze %dma_wait3A : memref<1x16xf32, #tpu.memory_space<vmem_shared>> -> memref<16xf32, #tpu.memory_space<vmem_shared>>
            %dma_wait3A_397 = tpu.memref_slice %arg30[%while3A_37, %mul3A_375] : memref<2816x32xf32, #tpu.memory_space<vmem_shared>> -> memref<1x16xf32, #tpu.memory_space<vmem_shared>>
            %dma_wait3A_398 = tpu.memref_squeeze %dma_wait3A_397 : memref<1x16xf32, #tpu.memory_space<vmem_shared>> -> memref<16xf32, #tpu.memory_space<vmem_shared>>
            tpu.wait_dma2 semaphore(%run_scoped3A : memref<!tpu.dma_semaphore, #tpu.memory_space<semaphore_mem>>) src(%arg27 : memref<16xf32, #tpu.memory_space<vmem>>) dst(%dma_wait3A_398 : memref<16xf32, #tpu.memory_space<vmem_shared>>)
            tpu.yield
          }) : () -> ()
        } else {
        }
        %broadcast_in_dim3A_363 = vector.broadcast %and3A_71 : i32 to vector<16xi32>
        %add3A_364 = arith.addf %squeeze3A_75, %select_n3A_236 : f32
        %broadcast_in_dim3A_365 = vector.broadcast %add3A_364 : f32 to vector<16xf32>
        tpu.vector_store_idx %arg29[%broadcast_in_dim3A_363], %broadcast_in_dim3A_365 masked %eq3A_2 : memref<272xf32, #tpu.memory_space<vmem>>[vector<16xi32>], vector<16xf32>, vector<16xi1>
        %lt3A_366 = arith.constant 2560 : i32
        %lt3A_367 = arith.cmpi slt, %while3A_36, %lt3A_366 : i32
        %convert_element_type3A_368 = arith.extui %lt3A_367 : i1 to i32
        %cond3A_369 = arith.constant 0 : i32
        %cond3A_370 = arith.cmpi ne, %convert_element_type3A_368, %cond3A_369 : i32
        scf.if %cond3A_370 {
          %shift_left3A = arith.constant 16 : i32
          %shift_left3A_372 = arith.shli %while3A_37, %shift_left3A : i32
          %broadcast_in_dim3A_373 = vector.broadcast %shift_left3A_372 : i32 to vector<16xi32>
          %add3A_374 = arith.constant 15 : i32
          %add3A_375 = arith.addi %sub3A_87, %add3A_374 : i32
          %jit3A_376 = arith.constant 16 : i32
          %div3A_377 = arith.divsi %add3A_375, %jit3A_376 : i32
          %sign3A = arith.constant 0 : i32
          %sign3A_378 = arith.cmpi sgt, %add3A_375, %sign3A : i32
          %sign3A_379 = arith.extui %sign3A_378 : i1 to i32
          %sign3A_380 = arith.constant 0 : i32
          %sign3A_381 = arith.cmpi slt, %add3A_375, %sign3A_380 : i32
          %sign3A_382 = arith.extui %sign3A_381 : i1 to i32
          %sign3A_383 = arith.subi %sign3A_379, %sign3A_382 : i32
          %sign3A_384 = arith.constant 0 : i32
          %sign3A_385 = arith.cmpi sgt, %jit3A_376, %sign3A_384 : i32
          %sign3A_386 = arith.extui %sign3A_385 : i1 to i32
          %sign3A_387 = arith.constant 0 : i32
          %sign3A_388 = arith.cmpi slt, %jit3A_376, %sign3A_387 : i32
          %sign3A_389 = arith.extui %sign3A_388 : i1 to i32
          %sign3A_390 = arith.subi %sign3A_386, %sign3A_389 : i32
          %ne3A = arith.cmpi ne, %sign3A_383, %sign3A_390 : i32
          %rem3A = arith.remsi %add3A_375, %jit3A_376 : i32
          %ne3A_391 = arith.constant 0 : i32
          %ne3A_392 = arith.cmpi ne, %rem3A, %ne3A_391 : i32
          %and3A_393 = arith.andi %ne3A, %ne3A_392 : i1
          %sub3A_394 = arith.constant 1 : i32
          %sub3A_395 = arith.subi %div3A_377, %sub3A_394 : i32
          %select_n3A_396 = arith.select %and3A_393, %sub3A_395, %div3A_377 : i32
          %while3A_397 = arith.constant 0 : i32
          %while3A_398 = arith.constant 0 : i32
          %while3A_399 = arith.subi %select_n3A_396, %while3A_397 : i32
          %while3A_400 = arith.addi %while3A_397, %while3A_399 : i32
          %while3A_401 = arith.constant 1 : i32
          %while3A_402 = arith.divsi %while3A_399, %while3A_401 : i32
          %while3A_403 = arith.muli %while3A_402, %while3A_401 : i32
          %while3A_404 = arith.addi %while3A_397, %while3A_403 : i32
          %while3A_405 = arith.constant 1 : i32
          %while3A_406 = scf.for %while3A_409 = %while3A_397 to %while3A_404 step %while3A_405 iter_args(%while3A_410 = %while3A_398) -> (i32)  : i32 {
            %mul3A_411 = arith.constant 16 : i32
            %mul3A_412 = arith.muli %while3A_409, %mul3A_411 : i32
            %add3A_413 = arith.addi %squeeze3A_80, %mul3A_412 : i32
            %get3A_414 = arith.index_cast %add3A_413 : i32 to index
            %get3A_415 = tpu.vector_load %arg21[%get3A_414] {strides = array<i32>} : memref<4112xi32, #tpu.memory_space<vmem>>, vector<16xi32>,
            %or3A_416 = arith.ori %get3A_415, %broadcast_in_dim3A_373 : vector<16xi32>
            %mul3A_417 = arith.constant 16 : i32
            %mul3A_418 = arith.muli %while3A_409, %mul3A_417 : i32
            %add3A_419 = arith.addi %while3A_36, %mul3A_418 : i32
            %swap3A_420 = arith.index_cast %add3A_419 : i32 to index
            %swap3A_421 = tpu.vector_load %arg23[%swap3A_420] {strides = array<i32>} : memref<2832xi32, #tpu.memory_space<vmem>>, vector<16xi32>,
            tpu.vector_store %arg23[%swap3A_420], %or3A_416 {strides = array<i32>} : memref<2832xi32, #tpu.memory_space<vmem>>, vector<16xi32>,
            %while3A_422 = arith.constant 0 : i32
            scf.yield %while3A_422 : i32
          }
          %while3A_407 = arith.constant 1 : i32
          %while3A_408 = scf.for %while3A_409 = %while3A_404 to %while3A_400 step %while3A_407 iter_args(%while3A_410 = %while3A_406) -> (i32)  : i32 {
            %mul3A_411 = arith.constant 16 : i32
            %mul3A_412 = arith.muli %while3A_409, %mul3A_411 : i32
            %add3A_413 = arith.addi %squeeze3A_80, %mul3A_412 : i32
            %get3A_414 = arith.index_cast %add3A_413 : i32 to index
            %get3A_415 = tpu.vector_load %arg21[%get3A_414] {strides = array<i32>} : memref<4112xi32, #tpu.memory_space<vmem>>, vector<16xi32>,
            %or3A_416 = arith.ori %get3A_415, %broadcast_in_dim3A_373 : vector<16xi32>
            %mul3A_417 = arith.constant 16 : i32
            %mul3A_418 = arith.muli %while3A_409, %mul3A_417 : i32
            %add3A_419 = arith.addi %while3A_36, %mul3A_418 : i32
            %swap3A_420 = arith.index_cast %add3A_419 : i32 to index
            %swap3A_421 = tpu.vector_load %arg23[%swap3A_420] {strides = array<i32>} : memref<2832xi32, #tpu.memory_space<vmem>>, vector<16xi32>,
            tpu.vector_store %arg23[%swap3A_420], %or3A_416 {strides = array<i32>} : memref<2832xi32, #tpu.memory_space<vmem>>, vector<16xi32>,
            %while3A_422 = arith.constant 0 : i32
            scf.yield %while3A_422 : i32
          }
        } else {
        }
        %barrier3A_371 = arith.constant 0 : index
        tpu.barrier barrier_id(%barrier3A_371)
        scf.yield %sub3A_87 : i32
      } else {
        %cond3A_66 = arith.constant 0 : i32
        scf.yield %cond3A_66 : i32
      }
      %jit3A = arith.constant 1 : i32
      %jit3A_62 = arith.constant 0 : i32
      %select_n3A = arith.select %lt3A_56, %jit3A, %jit3A_62 : i32
      %add3A_63 = arith.addi %add3A, %select_n3A : i32
      %add3A_64 = arith.addi %while3A_36, %cond3A_61 : i32
      %add3A_65 = arith.addi %while3A_37, %select_n3A : i32
      scf.yield %add3A_63, %add3A_64, %add3A_65 : i32, i32, i32
    }
    %eq3A_30 = arith.constant 0 : i32
    %eq3A_31 = arith.cmpi eq, %arg1, %eq3A_30 : i32
    %convert_element_type3A_32 = arith.extui %eq3A_31 : i1 to i32
    %cond3A_33 = arith.constant 0 : i32
    %cond3A_34 = arith.cmpi ne, %convert_element_type3A_32, %cond3A_33 : i32
    scf.if %cond3A_34 {
      "tpu.region"() ({
        %run_scoped3A = tpu.sem_alloc : memref<!tpu.dma_semaphore, #tpu.memory_space<semaphore_mem>>
        tpu.enqueue_dma source(%arg15 : memref<32768xf32, #tpu.memory_space<vmem>>) target(%arg13 : memref<32768xf32, #tpu.memory_space<hbm>>) target_semaphore(%run_scoped3A : memref<!tpu.dma_semaphore, #tpu.memory_space<semaphore_mem>>)
        tpu.wait_dma2 semaphore(%run_scoped3A : memref<!tpu.dma_semaphore, #tpu.memory_space<semaphore_mem>>) src(%arg15 : memref<32768xf32, #tpu.memory_space<vmem>>) dst(%arg13 : memref<32768xf32, #tpu.memory_space<hbm>>)
        tpu.yield
      }) : () -> ()
    } else {
    }
    return
  }
}

module attributes {stable_mosaic.version = 14 : i64} {
  func.func @_enc_body(%arg0: memref<256x128xf32, #tpu.memory_space<vmem>>, %arg1: memref<128x128xf32, #tpu.memory_space<vmem>>, %arg2: memref<1x128xf32, #tpu.memory_space<vmem>>, %arg3: memref<256x128xf32, #tpu.memory_space<vmem>>) attributes {dimension_semantics = [], scalar_prefetch = 0 : i64, scratch_operands = 0 : i64, tpu.core_type = #tpu.core_type<tc>} {
    %get3A = arith.constant 0 : index
    %get3A_0 = arith.constant 0 : index
    %get3A_1 = vector.load %arg0[%get3A, %get3A_0] : memref<256x128xf32, #tpu.memory_space<vmem>>, vector<256x128xf32>
    %get3A_2 = arith.constant 0 : index
    %get3A_3 = arith.constant 0 : index
    %get3A_4 = vector.load %arg1[%get3A_2, %get3A_3] : memref<128x128xf32, #tpu.memory_space<vmem>>, vector<128x128xf32>
    %dot_general3A = arith.constant dense<0.000000e+00> : vector<256x128xf32>
    %dot_general3A_5 = tpu.matmul %get3A_1, %get3A_4, %dot_general3A {dimension_numbers = #tpu.dot_dimension_numbers<[1], [0], [0], [1], [0, 0, 1, 1], [], []>, transpose_lhs_hint = false} : vector<256x128xf32>, vector<128x128xf32>, vector<256x128xf32> -> vector<256x128xf32>
    %get3A_6 = arith.constant 0 : index
    %get3A_7 = arith.constant 0 : index
    %get3A_8 = vector.load %arg2[%get3A_6, %get3A_7] : memref<1x128xf32, #tpu.memory_space<vmem>>, vector<1x128xf32>
    %add3A = vector.broadcast %get3A_8 : vector<1x128xf32> to vector<256x128xf32>
    %add3A_9 = arith.addf %dot_general3A_5, %add3A : vector<256x128xf32>
    %swap3A = arith.constant 0 : index
    %swap3A_10 = arith.constant 0 : index
    %swap3A_11 = vector.load %arg3[%swap3A, %swap3A_10] : memref<256x128xf32, #tpu.memory_space<vmem>>, vector<256x128xf32>
    tpu.vector_store %arg3[%swap3A, %swap3A_10], %add3A_9 {strides = array<i32>} : memref<256x128xf32, #tpu.memory_space<vmem>>, vector<256x128xf32>,
    return
  }
}

module attributes {stable_mosaic.version = 14 : i64} {
  func.func @_dec_body(%arg0: memref<256x128xf32, #tpu.memory_space<vmem>>, %arg1: memref<2x128x32xf32, #tpu.memory_space<vmem>>, %arg2: memref<2x32xf32, #tpu.memory_space<vmem>>, %arg3: memref<2x256x32xf32, #tpu.memory_space<vmem>>) attributes {dimension_semantics = [], scalar_prefetch = 0 : i64, scratch_operands = 0 : i64, tpu.core_type = #tpu.core_type<tc>} {
    %get3A = arith.constant 0 : index
    %get3A_0 = arith.constant 0 : index
    %get3A_1 = vector.load %arg0[%get3A, %get3A_0] : memref<256x128xf32, #tpu.memory_space<vmem>>, vector<256x128xf32>
    %get3A_2 = arith.constant 0 : index
    %get3A_3 = arith.constant 0 : index
    %get3A_4 = arith.constant 0 : index
    %get3A_5 = vector.load %arg1[%get3A_2, %get3A_3, %get3A_4] : memref<2x128x32xf32, #tpu.memory_space<vmem>>, vector<1x128x32xf32>
    %get3A_6 = vector.shape_cast %get3A_5 : vector<1x128x32xf32> to vector<128x32xf32>
    %dot_general3A = arith.constant dense<0.000000e+00> : vector<256x32xf32>
    %dot_general3A_7 = tpu.matmul %get3A_1, %get3A_6, %dot_general3A {dimension_numbers = #tpu.dot_dimension_numbers<[1], [0], [0], [1], [0, 0, 1, 1], [], []>, transpose_lhs_hint = false} : vector<256x128xf32>, vector<128x32xf32>, vector<256x32xf32> -> vector<256x32xf32>
    %get3A_8 = arith.constant 0 : index
    %get3A_9 = arith.constant 0 : index
    %get3A_10 = vector.load %arg2[%get3A_8, %get3A_9] : memref<2x32xf32, #tpu.memory_space<vmem>>, vector<1x32xf32>
    %get3A_11 = vector.shape_cast %get3A_10 : vector<1x32xf32> to vector<32xf32>
    %broadcast_in_dim3A = vector.shape_cast %get3A_11 : vector<32xf32> to vector<1x32xf32>
    %add3A = vector.broadcast %broadcast_in_dim3A : vector<1x32xf32> to vector<256x32xf32>
    %add3A_12 = arith.addf %dot_general3A_7, %add3A : vector<256x32xf32>
    %reduce_max3A = arith.constant dense<0xFF800000> : vector<256xf32>
    %reduce_max3A_13 = vector.multi_reduction <maximumf>, %add3A_12, %reduce_max3A [1] : vector<256x32xf32> to vector<256xf32>
    %broadcast_in_dim3A_14 = vector.shape_cast %reduce_max3A_13 : vector<256xf32> to vector<256x1xf32>
    %sub3A = vector.broadcast %broadcast_in_dim3A_14 : vector<256x1xf32> to vector<256x32xf32>
    %sub3A_15 = arith.subf %add3A_12, %sub3A : vector<256x32xf32>
    %exp3A = math.exp %sub3A_15 : vector<256x32xf32>
    %reduce_sum3A = arith.constant dense<0.000000e+00> : vector<256xf32>
    %reduce_sum3A_16 = vector.multi_reduction <add>, %exp3A, %reduce_sum3A [1] : vector<256x32xf32> to vector<256xf32>
    %broadcast_in_dim3A_17 = vector.shape_cast %reduce_sum3A_16 : vector<256xf32> to vector<256x1xf32>
    %log3A = math.log %broadcast_in_dim3A_17 : vector<256x1xf32>
    %sub3A_18 = vector.broadcast %log3A : vector<256x1xf32> to vector<256x32xf32>
    %sub3A_19 = arith.subf %sub3A_15, %sub3A_18 : vector<256x32xf32>
    %swap3A = arith.constant 0 : index
    %swap3A_20 = arith.constant 0 : index
    %swap3A_21 = arith.constant 0 : index
    %swap3A_22 = vector.load %arg3[%swap3A, %swap3A_20, %swap3A_21] : memref<2x256x32xf32, #tpu.memory_space<vmem>>, vector<1x256x32xf32>
    %swap3A_23 = vector.shape_cast %swap3A_22 : vector<1x256x32xf32> to vector<256x32xf32>
    %swap3A_24 = vector.shape_cast %sub3A_19 : vector<256x32xf32> to vector<1x256x32xf32>
    tpu.vector_store %arg3[%swap3A, %swap3A_20, %swap3A_21], %swap3A_24 {strides = array<i32>} : memref<2x256x32xf32, #tpu.memory_space<vmem>>, vector<1x256x32xf32>,
    %get3A_25 = arith.constant 1 : index
    %get3A_26 = arith.constant 0 : index
    %get3A_27 = arith.constant 0 : index
    %get3A_28 = vector.load %arg1[%get3A_25, %get3A_26, %get3A_27] : memref<2x128x32xf32, #tpu.memory_space<vmem>>, vector<1x128x32xf32>
    %get3A_29 = vector.shape_cast %get3A_28 : vector<1x128x32xf32> to vector<128x32xf32>
    %dot_general3A_30 = arith.constant dense<0.000000e+00> : vector<256x32xf32>
    %dot_general3A_31 = tpu.matmul %get3A_1, %get3A_29, %dot_general3A_30 {dimension_numbers = #tpu.dot_dimension_numbers<[1], [0], [0], [1], [0, 0, 1, 1], [], []>, transpose_lhs_hint = false} : vector<256x128xf32>, vector<128x32xf32>, vector<256x32xf32> -> vector<256x32xf32>
    %get3A_32 = arith.constant 1 : index
    %get3A_33 = arith.constant 0 : index
    %get3A_34 = vector.load %arg2[%get3A_32, %get3A_33] : memref<2x32xf32, #tpu.memory_space<vmem>>, vector<1x32xf32>
    %get3A_35 = vector.shape_cast %get3A_34 : vector<1x32xf32> to vector<32xf32>
    %broadcast_in_dim3A_36 = vector.shape_cast %get3A_35 : vector<32xf32> to vector<1x32xf32>
    %add3A_37 = vector.broadcast %broadcast_in_dim3A_36 : vector<1x32xf32> to vector<256x32xf32>
    %add3A_38 = arith.addf %dot_general3A_31, %add3A_37 : vector<256x32xf32>
    %reduce_max3A_39 = arith.constant dense<0xFF800000> : vector<256xf32>
    %reduce_max3A_40 = vector.multi_reduction <maximumf>, %add3A_38, %reduce_max3A_39 [1] : vector<256x32xf32> to vector<256xf32>
    %broadcast_in_dim3A_41 = vector.shape_cast %reduce_max3A_40 : vector<256xf32> to vector<256x1xf32>
    %sub3A_42 = vector.broadcast %broadcast_in_dim3A_41 : vector<256x1xf32> to vector<256x32xf32>
    %sub3A_43 = arith.subf %add3A_38, %sub3A_42 : vector<256x32xf32>
    %exp3A_44 = math.exp %sub3A_43 : vector<256x32xf32>
    %reduce_sum3A_45 = arith.constant dense<0.000000e+00> : vector<256xf32>
    %reduce_sum3A_46 = vector.multi_reduction <add>, %exp3A_44, %reduce_sum3A_45 [1] : vector<256x32xf32> to vector<256xf32>
    %broadcast_in_dim3A_47 = vector.shape_cast %reduce_sum3A_46 : vector<256xf32> to vector<256x1xf32>
    %log3A_48 = math.log %broadcast_in_dim3A_47 : vector<256x1xf32>
    %sub3A_49 = vector.broadcast %log3A_48 : vector<256x1xf32> to vector<256x32xf32>
    %sub3A_50 = arith.subf %sub3A_43, %sub3A_49 : vector<256x32xf32>
    %swap3A_51 = arith.constant 1 : index
    %swap3A_52 = arith.constant 0 : index
    %swap3A_53 = arith.constant 0 : index
    %swap3A_54 = vector.load %arg3[%swap3A_51, %swap3A_52, %swap3A_53] : memref<2x256x32xf32, #tpu.memory_space<vmem>>, vector<1x256x32xf32>
    %swap3A_55 = vector.shape_cast %swap3A_54 : vector<1x256x32xf32> to vector<256x32xf32>
    %swap3A_56 = vector.shape_cast %sub3A_50 : vector<256x32xf32> to vector<1x256x32xf32>
    tpu.vector_store %arg3[%swap3A_51, %swap3A_52, %swap3A_53], %swap3A_56 {strides = array<i32>} : memref<2x256x32xf32, #tpu.memory_space<vmem>>, vector<1x256x32xf32>,
    return
  }
}

</mosaic_0001>

<sc_bundles>
// kernel: kernel.5.cloned.1.call-start
scs
__scs_entry_jumppad:
0x0: {  	(pc) =	sbr.rel $0x88, $3  }
0x1: {  	(tag) =	ssettag $0x0;
	lr =	simm.s32 $0x1  }
0x2: {  	[smem:$0x3F93] =	sst lr;
	_ =	strace $0xD0000000  }
0x3: {  	_ = 	snop  }
0x4: {  	_ = 	snop  }
0x5: {  	_ = 	snop  }
0x6: {  	_ = 	snop  }
0x7: {  	_ = 	snop  }
__scs_overlays_trampoline_lowered:
0x8: {  	[smem:$0x3FA2] =	sst s0  }
0x9: {  	[smem:$0x3FA3] =	sst s1  }
0xa: {  	[smem:$0x3FA4] =	sst s2  }
0xb: {  	[smem:$0x3FA5] =	sst s3  }
0xc: {  	[smem:$0x3FA6] =	sst s4  }
0xd: {  	[smem:$0x3FA7] =	sst s5  }
0xe: {  	[smem:$0x3FA8] =	sst s6  }
0xf: {  	[smem:$0x3FA9] =	sst s7  }
0x10: {  	[smem:$0x3FAA] =	sst s8  }
0x11: {  	[smem:$0x3FAB] =	sst s9;
	s0 =	simm.s32 @!p0 $0x0  }
0x12: {  	s1 =	sld [smem:$0x3F91];
	s0 =	simm.s32 @p0 $0x1  }
0x13: {  	[smem:$0x3FAC] =	sst s0;
	s0 =	simm.s32 @!p1 $0x0  }
0x14: {  	s2 =	sld [smem:$0x3F90];
	s0 =	simm.s32 @p1 $0x1  }
0x15: {  	[smem:$0x3FAD] =	sst s0;
	s0 =	simm.s32 @!p2 $0x0  }
0x16: {  	s3 =	sld [smem:$0x3FDB];
	s0 =	simm.s32 @p2 $0x1  }
0x17: {  	s4 =	simm.s32 $0x1BF5;
	[smem:$0x3FAF] =	sst s0  }
0x18: {  	s0 =	sld [smem:$0x3F92];
	_ =	swait.ge [sflag:s4], $0x0  }
0x19: {  	s7 =	sld [smem:$0x3F93]  }
0x1a: {  	s8 =	sadd.s32 $0xFFFFE003, lr  }
0x1b: {  	s9 =	sadd.s32 $0xFFFFFEF7, lr;
	s5 =	simm.s32 $0xFFFFFFFF;
	p2 =	slt.u32 s8, $0xFFFFF086  }
0x1c: {  	p1 =	slt.u32 s9, $0xF7A;
	s5 =	simm.s32 @!p2 $0x0  }
0x1d: {  	s5 =	simm.s32 @p1 $0x1;
	p0 =	seq.s32 s7, s2  }
0x1e: {  	s7 =	smul.u32 @!p0 $0xF7A, s2;
	p2 =	seq.s32 @!p0 s5, $0x0  }
0x1f: {  	s9 =	smul.u32 $0xF7A, s1;
	s8 =	simm.s32 @!p0 $0x1BF5;
	p2 =	por !p2, p0  }
0x20: {  	[sflag:s8] =	ssyncset.s32 @!p0 $0xFFFFF086;
	s6 =	sadd.s32 @!p0 s3, s7;
	s7 =	simm.s32 @!p0 $0x108  }
0x21: {  	s3 =	sadd.s32 s3, s9;
	s6 =	sadd.s32 @!p0 $0x88, s6;
	s7 =	simm.s32 @p2 $0x1082  }
0x22: {  	[simem:s7], [sflag:s8] =	dma.local @!p0 [hbm:s6], $0xF7A  }
0x23: {  	s9 =	sor.u32 $0xD0000000, s2;
	s6 =	simm.s32 $0x108;
	_ =	swait.ge @!p0 [sflag:s8], $0x0  }
0x24: {  	s3 =	sadd.s32 $0x88, s3;
	s6 =	simm.s32 @!p1 $0x1082;
	[sflag:s4] =	ssyncset.s32 $0xFFFFF086  }
0x25: {  	[simem:s6], [sflag:s4] =	dma.local [hbm:s3], $0xF7A  }
0x26: {  	[smem:$0x3F93] =	sst s1;
	(tag) =	ssettag s2;
	_ =	strace s9  }
0x27: {  	s1 =	sld [smem:$0x3FA3]  }
0x28: {  	s2 =	sld [smem:$0x3FA4]  }
0x29: {  	s4 =	sld [smem:$0x3FA6]  }
0x2a: {  	p0 =	seq.s32 s5, $0x0;
	s5 =	sld [smem:$0x3FA7]  }
0x2b: {  	s6 =	sld [smem:$0x3FA8]  }
0x2c: {  	s7 =	sld [smem:$0x3FA9]  }
0x2d: {  	s3 =	simm.s32 $0x108;
	s8 =	sld [smem:$0x3FAA]  }
0x2e: {  	s3 =	simm.s32 @!p0 $0x1082;
	s9 =	sld [smem:$0x3FAB]  }
0x2f: {  	lr =	sadd.s32 s0, s3;
	s0 =	sld [smem:$0x3FA2]  }
0x30: {  	s3 =	sld [smem:$0x3FA5]  }
0x31: {  	[smem:$0x3FAE] =	sst s10  }
0x32: {  	s10 =	sld [smem:$0x3FAC];
	_ =	sdelay $0x3  }
0x33: {  	p0 =	seq.s32 s10, $0x1;
	s10 =	sld [smem:$0x3FAE];
	_ =	sdelay $0x3  }
0x34: {  	[smem:$0x3FAE] =	sst s10  }
0x35: {  	s10 =	sld [smem:$0x3FAD];
	_ =	sdelay $0x3  }
0x36: {  	p1 =	seq.s32 s10, $0x1;
	s10 =	sld [smem:$0x3FAE];
	_ =	sdelay $0x3  }
0x37: {  	[smem:$0x3FAE] =	sst s10  }
0x38: {  	s10 =	sld [smem:$0x3FAF]  }
0x39: {  	_ = 	snop;
	(pc) =	sbr.ind lr, $3  }
0x3a: {  	_ = 	snop  }
0x3b: {  	_ = 	snop  }
0x3c: {  	p2 =	seq.s32 s10, $0x1;
	s10 =	sld [smem:$0x3FAE]  }
0x3d: {  	_ =	shalt  }
0x3e: {  	_ =	shalt  }
0x3f: {  	_ =	shalt  }
0x40: {  	_ =	shalt  }
0x41: {  	_ =	shalt  }
0x42: {  	_ =	shalt  }
0x43: {  	_ =	shalt  }
0x44: {  	_ =	shalt  }
0x45: {  	_ =	shalt  }
0x46: {  	_ =	shalt  }
0x47: {  	_ =	shalt  }
0x48: {  	_ =	shalt  }
0x49: {  	_ =	shalt  }
0x4a: {  	_ =	shalt  }
0x4b: {  	_ =	shalt  }
0x4c: {  	_ =	shalt  }
0x4d: {  	_ =	shalt  }
0x4e: {  	_ =	shalt  }
0x4f: {  	_ =	shalt  }
0x50: {  	_ =	shalt  }
0x51: {  	_ =	shalt  }
0x52: {  	_ =	shalt  }
0x53: {  	_ =	shalt  }
0x54: {  	_ =	shalt  }
0x55: {  	_ =	shalt  }
0x56: {  	_ =	shalt  }
0x57: {  	_ =	shalt  }
0x58: {  	_ =	shalt  }
0x59: {  	_ =	shalt  }
0x5a: {  	_ =	shalt  }
0x5b: {  	_ =	shalt  }
0x5c: {  	_ =	shalt  }
0x5d: {  	_ =	shalt  }
0x5e: {  	_ =	shalt  }
0x5f: {  	_ =	shalt  }
0x60: {  	_ =	shalt  }
0x61: {  	_ =	shalt  }
0x62: {  	_ =	shalt  }
0x63: {  	_ =	shalt  }
0x64: {  	_ =	shalt  }
0x65: {  	_ =	shalt  }
0x66: {  	_ =	shalt  }
0x67: {  	_ =	shalt  }
0x68: {  	_ =	shalt  }
0x69: {  	_ =	shalt  }
0x6a: {  	_ =	shalt  }
0x6b: {  	_ =	shalt  }
0x6c: {  	_ =	shalt  }
0x6d: {  	_ =	shalt  }
0x6e: {  	_ =	shalt  }
0x6f: {  	_ =	shalt  }
0x70: {  	_ =	shalt  }
0x71: {  	_ =	shalt  }
0x72: {  	_ =	shalt  }
0x73: {  	_ =	shalt  }
0x74: {  	_ =	shalt  }
0x75: {  	_ =	shalt  }
0x76: {  	_ =	shalt  }
0x77: {  	_ =	shalt  }
0x78: {  	_ =	shalt  }
0x79: {  	_ =	shalt  }
0x7a: {  	_ =	shalt  }
0x7b: {  	_ =	shalt  }
0x7c: {  	_ =	shalt  }
0x7d: {  	_ =	shalt  }
0x7e: {  	_ =	shalt  }
0x7f: {  	_ =	shalt  }
0x80: {  	_ =	shalt  }
0x81: {  	_ =	shalt  }
0x82: {  	_ =	shalt  }
0x83: {  	_ =	shalt  }
0x84: {  	_ =	shalt  }
0x85: {  	_ =	shalt  }
0x86: {  	_ =	shalt  }
0x87: {  	_ =	shalt  }
.Lfunc_end0:
.L_simem_size_0:
called_computation_lowered:
.L_overlay_start_0:
0x88: {  	s0 =	sld [smem:$0x3FD9]  }
0x89: {  	s1 =	sld [smem:$0x3FFE];
	_ =	sdelay $0x3  }
0x8a: {  	s0 =	sadd.s32 s1, s0  }
0x8b: {  	[smem:$0x3FBA] =	sst s0  }
0x8c: {  	_ = 	snop  }
0x8d: {  	s0 =	sld [smem:$0x3FC2]  }
0x8e: {  	s16 =	sld [smem:$0x3FC0]  }
0x8f: {  	s2 =	sld [smem:$0x3FD0];
	(tm) =	ssettm $0x1  }
0x90: {  	s3 =	sld [smem:$0x3FFB];
	_ =	sdelay $0x3  }
0x91: {  	_ =	strace s3  }
0x92: {  	s3 =	sld [smem:$0x3FFC];
	_ =	sdelay $0x3  }
0x93: {  	_ =	strace s3  }
0x94: {  	s3 =	sld [smem:$0x3FFD];
	_ =	sdelay $0x3  }
0x95: {  	_ =	strace s3  }
0x96: {  	_ =	strace $0x8FFFFFFF  }
0x97: {  	s17 =	sld [smem:$0x3FDB];
	_ =	sdelay $0x1  }
0x98: {  	s4 =	simm.s32 $_scs_section_size  }
0x99: {  	s5 =	simm.s32 $_size__tile_overlayer_lowered;
	s6 =	simm.s32 $_tile_overlayer_lowered  }
0x9a: {  	s20 =	simm.s32 $0x1BFF;
	s19 =	sshll.u32 s6, $0x1;
	s3 =	sadd.s32 s4, s17  }
0x9b: {  	s7 =	simm.s32 $0x0;
	s18 =	sshll.u32 s5, $0x1;
	s5 =	sadd.s32 s19, s3  }
0x9c: {  	[timem:s7], [sflag:s20] =	dma.local [hbm:s5], s18  }
0x9d: {  	_ =	swait.ge [sflag:s20], s18  }
0x9e: {  	s4 =	ssub.s32 $0x0, s18;
	[sflag:s20] =	ssyncset.done $0x0  }
0x9f: {  	[sflag:s20] =	ssyncadd.s32 s4;
	_ =	sdelay $0x1  }
0xa0: {  	s21 =	simm.s32 $0x1B8B  }
0xa1: {  	_ =	swait.ge [sflag:s21], $0x1  }
0xa2: {  	[sflag:s21] =	ssyncset.done $0x0  }
0xa3: {  	s23 =	simm.s32 $0x1B8E;
	s22 =	sld [smem:$0x3FFE];
	[sflag:s21] =	ssyncadd.s32 $0xFFFFFFFF  }
0xa4: {  	s24 =	simm.s32 $execute0_lowered;
	[smem:$0x3FD2] =	sst s23  }
0xa5: {  	s5 =	sshll.u32 s24, $0x1;
	_ =	strace $0x80000046;
	[dreg:$0x1] =	wrdreg $0xFFFFFFFF  }
0xa6: {  	s25 =	simm.s32 $_size_execute0_lowered;
	s3 =	sadd.s32 s3, s5;
	[dreg:$0x0] =	wrdreg $0x0  }
0xa7: {  	s5 =	sshll.u32 s25, $0x1;
	[dreg:$0x2] =	wrdreg s3  }
0xa8: {  	[dreg:$0x3] =	wrdreg s5  }
0xa9: {  	[dreg:$0x4] =	wrdreg $0xC0  }
0xaa: {  	_ =	task [dreg:s7], $0x5FFFF  }
0xab: {  	[dreg:$0x1] =	wrdreg $0xFFFFFFFF  }
0xac: {  	[dreg:$0x0] =	wrdreg $0x60  }
0xad: {  	[dreg:$0x2] =	wrdreg s22  }
0xae: {  	[dreg:$0x3] =	wrdreg s2  }
0xaf: {  	[dreg:$0x4] =	wrdreg s0  }
0xb0: {  	[dreg:$0x5] =	wrdreg s16  }
0xb1: {  	[dreg:$0x6] =	wrdreg $0x142000  }
0xb2: {  	[dreg:$0x7] =	wrdreg $0x158000  }
0xb3: {  	[dreg:$0x8] =	wrdreg $0x9  }
0xb4: {  	_ =	task.clear_ibuf [dreg:s7], $0x9FFFF;
	_ =	strace $0x90000046  }
0xb5: {  	s26 =	simm.s32 $0x9;
	_ =	strace $0x80000048  }
0xb6: {  	_ =	swait.ge [sflag:s26], $0x1  }
0xb7: {  	[sflag:s26] =	ssyncadd.s32 $0xFFFFFFFF  }
0xb8: {  	_ =	strace $0x90000048  }
0xb9: {  	_ =	sfence  }
0xba: {  	s28 =	sld [smem:$0x0];
	_ =	sdelay $0x1  }
0xbb: {  	s29 =	srdreg.scid  }
0xbc: {  	s30 =	sshll.u32 s29, $0xD;
	s31 =	sshrl.u32 s29, $0x2  }
0xbd: {  	s1 =	sand.u32 $0x1, s29;
	s2 =	sand.u32 $0x4000, s30;
	s0 =	sadd.s32 s31, s28  }
0xbe: {  	s1 =	sor.u32 s2, s1;
	s0 =	sshll.u32 s0, $0x11  }
0xbf: {  	s0 =	sor.u32 s0, s1  }
0xc0: {  	s0 =	sadd.s32 $0x8F2B, s0  }
0xc1: {  	[sflag:s0] =	ssyncadd.remote.s32 $0x1  }
0xc2: {  	_ =	sfence.sel $0xFFFF  }
0xc3: {  	[dreg:$0x0] =	wrdreg $0xFFFFFFFF;
	(pc) =	sbr.abs _section_cstart, $3  }
0xc4: {  	[dreg:$0x1] =	wrdreg $0xFFFFFFFF  }
0xc5: {  	_ =	task.clear_ibuf [dreg:s7], $0x2FFFF;
	_ =	strace $0x9FFFFFFF  }
0xc6: {  	(tm) =	ssettm $0x7FFFFFFF  }
0xc7: {  	_ =	shalt  }
tec
execute0_lowered:
.L_overlay_start_1:
0x0: {  	(tag) =	ssettag $0x1  }
0x1: {  	s4 =	rddreg [dreg:$0x0]  }
0x2: {  	s3 =	rddreg [dreg:$0x1]  }
0x3: {  	s5 =	rddreg [dreg:$0x2]  }
0x4: {  	s6 =	rddreg [dreg:$0x3]  }
0x5: {  	s1 =	rddreg [dreg:$0x4]  }
0x6: {  	s2 =	rddreg [dreg:$0x5]  }
0x7: {  	s0 =	rddreg [dreg:$0x6];
	s7 =	simm.s32 $0x0  }
0x8: {  	[smem:$0x7FF] =	sst s7  }
0x9: {  	s19 =	simm.s32 $0x1;
	s8 =	sadd.s32 $0x2400, s4;
	_ =	strace $0x80000047  }
0xa: {  	[tilespmem:s7], [sflag:$0x1] =	stream.linear.gather [hbm4b:s8+s7], $0x8000, $0x38;
	[tilespmem:$0x15808] =	vst v63  }
0xb: {  	_ =	swait.ge [sflag:s19], $0x8000  }
0xc: {  	[sflag:s19] =	ssyncset.done $0x0  }
0xd: {  	s9 =	simm.s32 $0x10A00;
	[sflag:s19] =	ssyncadd.s32 $0xFFFF8000  }
0xe: {  	[tilespmem:s9], [sflag:$0x1] =	stream.linear.gather [hbm4b:s3+s7], $0x1400, $0x38;
	[tilespmem:$0x15808] =	vst v63  }
0xf: {  	_ =	swait.ge [sflag:s19], $0x1400  }
0x10: {  	[sflag:s19] =	ssyncset.done $0x0  }
0x11: {  	s21 =	simm.s32 $0x11E00;
	s20 =	sadd.s32 $0x3400, s4;
	[sflag:s19] =	ssyncadd.s32 $0xFFFFEC00  }
0x12: {  	[tilespmem:s21], [sflag:$0x1] =	stream.linear.gather [hbm4b:s20+s7], $0x100, $0x38;
	[tilespmem:$0x15808] =	vst v63  }
0x13: {  	_ =	swait.ge [sflag:s19], $0x100  }
0x14: {  	[sflag:s19] =	ssyncset.done $0x0  }
0x15: {  	s22 =	simm.s32 $0x11F00;
	[sflag:s19] =	ssyncadd.s32 $0xFFFFFF00  }
0x16: {  	[tilespmem:s22], [sflag:$0x1] =	stream.linear.gather [hbm4b:s5+s7], $0x80, $0x38;
	[tilespmem:$0x15808] =	vst v63  }
0x17: {  	_ =	swait.ge [sflag:s19], $0x80  }
0x18: {  	[sflag:s19] =	ssyncset.done $0x0  }
0x19: {  	s23 =	simm.s32 $0x11F80;
	[sflag:s19] =	ssyncadd.s32 $0xFFFFFF80  }
0x1a: {  	[tilespmem:s23], [sflag:$0x1] =	stream.linear.gather [hbm4b:s6+s7], $0x80, $0x38;
	[tilespmem:$0x15808] =	vst v63  }
0x1b: {  	_ =	swait.ge [sflag:s19], $0x80  }
0x1c: {  	[sflag:s19] =	ssyncset.done $0x0  }
0x1d: {  	s25 =	simm.s32 $0x12000;
	s24 =	sadd.s32 $0x1E00, s4;
	[sflag:s19] =	ssyncadd.s32 $0xFFFFFF80  }
0x1e: {  	[tilespmem:s25], [sflag:$0x1] =	stream.linear.gather [hbm4b:s24+s7], $0x1080, $0x38;
	[tilespmem:$0x15808] =	vst v63  }
0x1f: {  	_ =	swait.ge [sflag:s19], $0x1080  }
0x20: {  	[sflag:s19] =	ssyncset.done $0x0  }
0x21: {  	s26 =	simm.s32 $0x13080;
	[sflag:s19] =	ssyncadd.s32 $0xFFFFEF80  }
0x22: {  	[tilespmem:s26], [sflag:$0x1] =	stream.linear.gather [hbm4b:s4+s7], $0x180, $0x38;
	[tilespmem:$0x15808] =	vst v63  }
0x23: {  	s29 =	simm.s32 $0x13200;
	s31 =	simm.s32 $0x14000;
	_ =	swait.ge [sflag:s19], $0x180  }
0x24: {  	s11 =	simm.s32 $0x0;
	s28 =	sadd.s32 $0x2200, s4;
	[sflag:s19] =	ssyncset.done $0x0  }
0x25: {  	s30 =	sadd.s32 $0x200, s4;
	s3 =	stileid.u32;
	[sflag:s19] =	ssyncadd.s32 $0xFFFFFE80  }
0x26: {  	[tilespmem:s29], [sflag:$0x1] =	stream.linear.gather [hbm4b:s28+s7], $0xB80, $0x38;
	[tilespmem:$0x15808] =	vst v63  }
0x27: {  	p0 =	sgt.u32 s3, $0x7;
	s17 =	sand.u32 $0xE, s3;
	_ =	swait.ge [sflag:s19], $0xB80  }
0x28: {  	s8 =	simm.s32 @!p0 $0x10000;
	p1 =	sne.s32 @!p0 s3, $0x0;
	[sflag:s19] =	ssyncset.done $0x0  }
0x29: {  	p3 =	por @!p0 $0x0, $0x0;
	p2 =	por p1, p0;
	[sflag:s19] =	ssyncadd.s32 $0xFFFFF480  }
0x2a: {  	[tilespmem:s31], [sflag:$0x1] =	stream.linear.gather [hbm4b:s30+s7], $0x80, $0x38;
	[tilespmem:$0x15808] =	vst v63  }
0x2b: {  	p5 =	por !p1, p0;
	s5 =	smul.u32 @!p0 $0x140, s3;
	_ =	swait.ge [sflag:s19], $0x80  }
0x2c: {  	p1 =	por $0x0, $0x0;
	s6 =	sadd.s32 $0x400, s4;
	[sflag:s19] =	ssyncset.done $0x0  }
0x2d: {  	s5 =	sadd.s32 @!p0 s6, s5;
	s6 =	simm.s32 @!p0 $0x0;
	[sflag:s19] =	ssyncadd.s32 $0xFFFFFF80  }
0x2e: {  	[tilespmem:s8], [sflag:$0x1] =	stream.linear.gather @!p0 [hbm4b:s5+s6], $0xA00, $0x38;
	[tilespmem:$0x15808] =	vst v63  }
0x2f: {  	s9 =	simm.s32 @!p2 $0x1C01;
	p4 =	por @!p2 $0x1, $0x1;
	s8 =	simm.s32 @!p0 $0x1  }
0x30: {  	s10 =	simm.s32 @!p2 $0x1;
	p4 =	por @!p5 p3, p3;
	_ =	swait.ge @!p0 [sflag:s8], $0xA00  }
0x31: {  	p1 =	por @!p0 p4, p4;
	s7 =	sadd.s32 $0xE00, s4;
	[sflag:s8] =	ssyncset.done @!p0 $0x0  }
0x32: {  	s5 =	sshll.u32 s3, $0x4;
	[sflag:s8] =	ssyncadd.s32 @!p0 $0xFFFFF600;
	s8 =	sshrl.u32 @!p2 s1, $0x3  }
0x33: {  	[spmem:s8], [sflag:s9] =	dma.local @!p2 [hbm:s7], $0x1000  }
0x34: {  	s4 =	sadd.s32 $0x3600, s4;
	s6 =	sadd.s32 s5, s2;
	_ =	swait.ge @!p2 [sflag:s10], $0x1000  }
0x35: {  	s7 =	sadd.s32 $0xFFFFFF80, s5;
	s8 =	sand.u32 $0x10, s5;
	[sflag:s10] =	ssyncset.done @!p2 $0x0  }
0x36: {  	v0 =	vimm.f32 $0.0e+00;
	s9 =	sadd.s32 s7, s1;
	[sflag:s10] =	ssyncadd.s32 @!p2 $0xFFFFF000;
	s10 =	simm.s32 $0x40  }
.LBB2_1:
0x37: {  	p2 =	sne.s32 s10, $0x1FFC0;
	[tilespmem:s11+$0x8000] =	vst v0;
	s11 =	smov.u32 s10;
	s10 =	sadd.s32 $0x40, s10  }
.Ltmp0:
0x38: {  	(pc) =	sbr.rel @p2 .LBB2_1-.Ltmp0, $2  }
0x39: {  	_ =	sdelay $0x2  }
0x3a: {  	s11 =	sshra.s32 s11, $0x2  }
0x3b: {  	[tilespmem:s11+$0x8000] =	vst v0;
	v62 =	vimm.f32 $0.0e+00  }
0x3c: {  	[tilespmem:$0x14080] =	vst v62  }
0x3d: {  	[tilespmem:$0x14090] =	vst v62  }
0x3e: {  	[tilespmem:$0x140A0] =	vst v62  }
0x3f: {  	[tilespmem:$0x140B0] =	vst v62  }
0x40: {  	[tilespmem:$0x140C0] =	vst v62  }
0x41: {  	[tilespmem:$0x140D0] =	vst v62  }
0x42: {  	[tilespmem:$0x140E0] =	vst v62  }
0x43: {  	[tilespmem:$0x140F0] =	vst v62  }
0x44: {  	[tilespmem:$0x14100] =	vst v62  }
0x45: {  	[tilespmem:$0x14110] =	vst v62  }
0x46: {  	[tilespmem:$0x14120] =	vst v62  }
0x47: {  	[tilespmem:$0x14130] =	vst v62  }
0x48: {  	[tilespmem:$0x14140] =	vst v62  }
0x49: {  	[tilespmem:$0x14150] =	vst v62  }
0x4a: {  	[tilespmem:$0x14160] =	vst v62  }
0x4b: {  	[tilespmem:$0x14170] =	vst v62  }
0x4c: {  	[tilespmem:$0x14180] =	vst v62  }
0x4d: {  	[bflag:$0x0] =	sbarrier.arrive $0xFFFF  }
0x4e: {  	v63 =	vld [tilespmem:$0x14000];
	_ =	sdelay $0x4  }
0x4f: {  	(v2sf) =	vpush v63, $0x0  }
0x50: {  	v1 =	vld [tilespmem:$0x11EA0];
	_ =	sdelay $0x4  }
0x51: {  	(v2sf) =	vpush v1, $0x0;
	_ =	sdelay $0x8  }
0x52: {  	s10 =	spop (v2sf)  }
0x53: {  	p2 =	slt.s32 s10, $0x1  }
.Ltmp1:
0x54: {  	_ = 	snop;
	(pc) =	sbr.rel @p2 .LBB2_24-.Ltmp1, $2  }
0x55: {  	_ =	sdelay $0x2  }
0x56: {  	s11 =	spop (v2sf)  }
0x57: {  	s12 =	sand.u32 $0x1, s3  }
0x58: {  	v0 =	vlaneseq.u32;
	v1 =	vimm.s32 $0x0;
	v2 =	vimm.s32 $0x1;
	s12 =	sshll.u32 s12, $0x4  }
0x59: {  	v3 =	vimm.s32 $0x2;
	v4 =	vimm.s32 $0x3;
	v5 =	vimm.s32 $0x4;
	s20 =	sor.u32 $0x10B00, s12  }
.Ltmp2:
0x5a: {  	v6 =	vimm.s32 $0x5;
	v7 =	vimm.s32 $0x6;
	v17 =	vmov s20;
	(pc) =	sbr.rel .LBB2_4-.Ltmp2, $4  }
0x5b: {  	v8 =	vimm.s32 $0x7;
	v9 =	vimm.s32 $0x8;
	v10 =	vimm.s32 $0x9  }
0x5c: {  	s18 =	sor.u32 $0x10B80, s5;
	s21 =	sadd.s32 $0x10AC0, s5;
	s19 =	simm.s32 $0x0;
	v11 =	vimm.s32 $0xA;
	v12 =	vimm.s32 $0xB;
	v13 =	vimm.s32 $0xC  }
0x5d: {  	s13 =	simm.s32 $0x14080;
	s14 =	simm.s32 $0x13E80;
	v14 =	vimm.s32 $0xD;
	v15 =	vimm.s32 $0xE;
	v16 =	vimm.s32 $0xF;
	s15 =	simm.s32 $0x1  }
0x5e: {  	s16 =	simm.s32 $0x13F80;
	p2 =	sne.s32 s17, $0x8;
	v0 =	vadd.s32 $0x1, v0;
	v18 =	vmov s21;
	v19 =	vmov s18;
	s12 =	simm.s32 $0x100  }
.LBB2_17:
0x5f: {  	s21 =	smov.u32 s20  }
.LBB2_21:
0x60: {  	s21 =	sadd.s32 @p3 $0x10, s21  }
0x61: {  	v20 =	vor.u32 v20, v21;
	s20 =	smov.u32 @p3 s21  }
0x62: {  	[tilespmem:s20+$0x0] =	vst v20  }
.LBB2_22:
0x63: {  	[bflag:$0x0] =	sbarrier.arrive $0xFFFF  }
.LBB2_23:
0x64: {  	p3 =	slt.s32 s18, s17;
	s17 =	simm.s32 $0x1  }
0x65: {  	s17 =	simm.s32 @!p3 $0x0  }
0x66: {  	s19 =	sadd.s32 s17, s19  }
0x67: {  	s10 =	sadd.s32 s10, s23;
	p3 =	sgt.s32 s19, $0x9FF  }
0x68: {  	p4 =	slt.s32 @!p3 s19, s10  }
0x69: {  	p3 =	por p3, !p4  }
.Ltmp3:
0x6a: {  	_ = 	snop;
	(pc) =	sbr.rel @p3 .LBB2_24-.Ltmp3, $2  }
0x6b: {  	_ =	sdelay $0x2  }
0x6c: {  	s12 =	sadd.s32 s17, s12  }
.LBB2_4:
0x6d: {  	v20 =	vld [tilespmem:s19+$0x13200];
	_ =	sdelay $0x4  }
0x6e: {  	v20 =	vand.u32 $0xFFFF, v20;
	_ =	sdelay $0x4  }
0x6f: {  	v20 =	vld.idx.msk [tilespmem:v20+s13+$0x0], $0xffff;
	_ =	sdelay $0x1  }
0x70: {  	p3 =	slt.s32 s10, $0xA00;
	s17 =	smov.u32 s10  }
0x71: {  	s17 =	simm.s32 @!p3 $0xA00  }
0x72: {  	s17 =	ssub.s32 s17, s19  }
0x73: {  	vm0 =	vgt.f32 v20, $9.999998800e-01;
	v20 =	vmov s17  }
0x74: {  	vm0 =	vmneg vm0;
	vm1 =	vlt.s32 v20, v0  }
0x75: {  	vm0 =	vmor vm1, vm0  }
0x76: {  	v20 =	vmctz.xlane vm0;
	_ =	sdelay $0x1  }
0x77: {  	(v2sf) =	vpush v20, $0x0;
	_ =	sdelay $0xd  }
0x78: {  	p3 =	slt.s32 s17, $0x10  }
0x79: {  	s17 =	simm.s32 @!p3 $0x10;
	s18 =	spop (v2sf)  }
0x7a: {  	p3 =	sge.s32 s18, s17  }
.Ltmp4:
0x7b: {  	_ = 	snop;
	(pc) =	sbr.rel @p3 .LBB2_23-.Ltmp4, $2  }
0x7c: {  	_ =	sdelay $0x2  }
0x7d: {  	s23 =	simm.s32 $0x0;
	s19 =	sadd.s32 s19, s18  }
0x7e: {  	v20 =	vld [tilespmem:s19+$0x13200];
	_ =	sdelay $0x4  }
0x7f: {  	(v2sf) =	vpush v20, $0x0;
	_ =	sdelay $0xe  }
0x80: {  	s20 =	spop (v2sf)  }
0x81: {  	s22 =	sand.u32 $0xFFFF, s20  }
0x82: {  	v20 =	vld [tilespmem:s22+$0x14080]  }
0x83: {  	v21 =	vld [tilespmem:s22+$0x13080]  }
0x84: {  	v22 =	vld [tilespmem:s22+$0x13081];
	_ =	sdelay $0x2  }
0x85: {  	(v2sf) =	vpush v20, $0x0  }
0x86: {  	(v2sf) =	vpush v21, $0x0  }
0x87: {  	(v2sf) =	vpush v22, $0x0;
	_ =	sdelay $0x8  }
0x88: {  	s23 =	sshrl.u32 s20, $0x9  }
0x89: {  	s24 =	sand.u32 $0x7FFF80, s23  }
0x8a: {  	s24 =	sadd.s32 s24, s1  }
0x8b: {  	[tilespmem:s14], [sflag:$0x1] =	stream.linear.gather [spmem:s24], $0x80, $0x38;
	[tilespmem:$0x15808] =	vst v63  }
0x8c: {  	s21 =	spop (v2sf)  }
0x8d: {  	s20 =	spop (v2sf)  }
0x8e: {  	s23 =	spop (v2sf)  }
0x8f: {  	_ =	swait.ge [sflag:s15], $0x80  }
0x90: {  	[sflag:s15] =	ssyncset.done $0x0  }
0x91: {  	s25 =	sshll.u32 s22, $0x7;
	[sflag:s15] =	ssyncadd.s32 $0xFFFFFF80  }
0x92: {  	v20 =	vld [tilespmem:s25+$0x0];
	_ =	sdelay $0x4  }
0x93: {  	[tilespmem:$0x13D80] =	vst v20  }
0x94: {  	v44 =	vld [tilespmem:s25+$0x10];
	_ =	sdelay $0x4  }
0x95: {  	[tilespmem:$0x13D90] =	vst v44  }
0x96: {  	v45 =	vld [tilespmem:s25+$0x20];
	_ =	sdelay $0x4  }
0x97: {  	[tilespmem:$0x13DA0] =	vst v45  }
0x98: {  	v23 =	vld [tilespmem:s25+$0x30];
	_ =	sdelay $0x4  }
0x99: {  	[tilespmem:$0x13DB0] =	vst v23  }
0x9a: {  	v24 =	vld [tilespmem:s25+$0x40];
	_ =	sdelay $0x3  }
0x9b: {  	v25 =	vld [tilespmem:$0x11E00]  }
0x9c: {  	v27 =	vld [tilespmem:$0x11E10];
	[tilespmem:$0x13DC0] =	vst v24  }
0x9d: {  	v26 =	vld [tilespmem:s25+$0x50];
	_ =	sdelay $0x1  }
0x9e: {  	v28 =	vld [tilespmem:$0x11E20]  }
0x9f: {  	v20 =	vmul.f32 v25, v20  }
0xa0: {  	v46 =	vld [tilespmem:$0x11E30]  }
0xa1: {  	v47 =	vld [tilespmem:$0x11E40];
	v20 =	vadd.f32 $0.0e+00, v20;
	v21 =	vmul.f32 v27, v44;
	[tilespmem:$0x13DD0] =	vst v26  }
0xa2: {  	v29 =	vld [tilespmem:s25+$0x60]  }
0xa3: {  	v20 =	vadd.f32 v21, v20;
	v48 =	vmul.f32 v28, v45  }
0xa4: {  	v49 =	vld [tilespmem:$0x11E50]  }
0xa5: {  	v20 =	vadd.f32 v48, v20;
	v50 =	vmul.f32 v46, v23  }
0xa6: {  	v51 =	vld [tilespmem:$0x11E60]  }
0xa7: {  	v54 =	vld [tilespmem:$0x11E70];
	v20 =	vadd.f32 v50, v20;
	v53 =	vmul.f32 v47, v24;
	[tilespmem:$0x13DE0] =	vst v29  }
0xa8: {  	v52 =	vld [tilespmem:s25+$0x70]  }
0xa9: {  	v55 =	vld [tilespmem:$0x13E80];
	v20 =	vadd.f32 v53, v20;
	v56 =	vmul.f32 v49, v26  }
0xaa: {  	v57 =	vld [tilespmem:$0x11E80]  }
0xab: {  	v58 =	vld [tilespmem:$0x13E90];
	v20 =	vadd.f32 v56, v20;
	v59 =	vmul.f32 v51, v29  }
0xac: {  	v60 =	vld [tilespmem:$0x11E90]  }
0xad: {  	v20 =	vadd.f32 v59, v20;
	v61 =	vmul.f32 v54, v52;
	_ =	sdelay $0x1  }
0xae: {  	v62 =	vmul.f32 v57, v55;
	v20 =	vadd.f32 v61, v20;
	_ =	sdelay $0x1  }
0xaf: {  	v63 =	vmul.f32 v60, v58;
	v20 =	vadd.f32 v62, v20;
	_ =	sdelay $0x1  }
0xb0: {  	v20 =	vadd.f32 v63, v20;
	_ =	sdelay $0x1  }
0xb1: {  	(xrf2) =	vadd.scan.msk.f32 $0xffff, v20;
	_ =	sdelay $0x9  }
0xb2: {  	v20, _, _ =	vpop (xrf2)  }
0xb3: {  	(v2sf) =	vpush v20, $0xF;
	_ =	sdelay $0xe  }
0xb4: {  	s31 =	spop (v2sf)  }
0xb5: {  	s24 =	sadd.f32 s31, s11;
	_ =	sdelay $0x1  }
0xb6: {  	s24 =	ssub.f32 $0.0e+00, s24;
	_ =	sdelay $0x1  }
0xb7: {  	v20 =	vmov s24  }
0xb8: {  	v20 =	vmul.f32 $1.442695020e+00, v20;
	_ =	sdelay $0x1  }
0xb9: {  	v20 =	vbroadcast v20, $0x0;
	_ =	sdelay $0x1  }
0xba: {  	(erf) = vpow2.f32 v20;
	_ =	sdelay $0x8  }
0xbb: {  	v20 =	vpop (erf)  }
0xbc: {  	v20 =	vadd.f32 $1.000000000e+00, v20;
	_ =	sdelay $0x1  }
0xbd: {  	(erf) = vrcp.f32 v20;
	_ =	sdelay $0x8  }
0xbe: {  	v20 =	vpop (erf)  }
0xbf: {  	(v2sf) =	vpush v20, $0x0;
	_ =	sdelay $0xa  }
.Ltmp5:
0xc0: {  	_ = 	snop;
	(pc) =	sbr.rel @p0 .LBB2_9-.Ltmp5, $4  }
0xc1: {  	_ = 	snop  }
0xc2: {  	[tilespmem:$0x13E00] =	vst v55  }
0xc3: {  	[tilespmem:$0x13E10] =	vst v58  }
0xc4: {  	[tilespmem:$0x13DF0] =	vst v52;
	s24 =	spop (v2sf)  }
0xc5: {  	s26 =	simm.s32 $0x0  }
0xc6: {  	v20 =	vld [tilespmem:s26+$0x13D80]  }
0xc7: {  	s26 =	simm.s32 $0x10080  }
0xc8: {  	v21 =	vld [tilespmem:s26+$0xFFFFFF80];
	_ =	sdelay $0x1  }
0xc9: {  	v22 =	vld [tilespmem:s26+$0xFFFFFF90]  }
0xca: {  	v23 =	vperm.xlane v20, v1  }
0xcb: {  	v24 =	vld [tilespmem:s26+$0xFFFFFFA0]  }
0xcc: {  	v21 =	vmul.f32 v21, v23;
	v23 =	vperm.xlane v20, v2  }
0xcd: {  	v25 =	vimm.f32 $0.0e+00;
	v26 =	vld [tilespmem:s26+$0xFFFFFFB0]  }
0xce: {  	v21 =	vadd.f32 v21, v25;
	v22 =	vmul.f32 v22, v23;
	v23 =	vperm.xlane v20, v3  }
0xcf: {  	v25 =	vld [tilespmem:s26+$0xFFFFFFC0]  }
0xd0: {  	v21 =	vadd.f32 v22, v21;
	v22 =	vmul.f32 v24, v23;
	v23 =	vperm.xlane v20, v4  }
0xd1: {  	v24 =	vld [tilespmem:s26+$0xFFFFFFD0]  }
0xd2: {  	v21 =	vadd.f32 v22, v21;
	v22 =	vmul.f32 v26, v23;
	v23 =	vperm.xlane v20, v5  }
0xd3: {  	v26 =	vld [tilespmem:s26+$0xFFFFFFE0]  }
0xd4: {  	v21 =	vadd.f32 v22, v21;
	v22 =	vmul.f32 v25, v23;
	v23 =	vperm.xlane v20, v6  }
0xd5: {  	v25 =	vld [tilespmem:s26+$0xFFFFFFF0]  }
0xd6: {  	v21 =	vadd.f32 v22, v21;
	v22 =	vmul.f32 v24, v23;
	v23 =	vperm.xlane v20, v7  }
0xd7: {  	v24 =	vld [tilespmem:s26+$0x0]  }
0xd8: {  	v21 =	vadd.f32 v22, v21;
	v22 =	vmul.f32 v26, v23;
	v23 =	vperm.xlane v20, v8  }
0xd9: {  	v26 =	vld [tilespmem:s26+$0x10]  }
0xda: {  	v21 =	vadd.f32 v22, v21;
	v22 =	vmul.f32 v25, v23;
	v23 =	vperm.xlane v20, v9  }
0xdb: {  	v25 =	vld [tilespmem:s26+$0x20]  }
0xdc: {  	v21 =	vadd.f32 v22, v21;
	v22 =	vmul.f32 v24, v23;
	v23 =	vperm.xlane v20, v10  }
0xdd: {  	v24 =	vld [tilespmem:s26+$0x30]  }
0xde: {  	v21 =	vadd.f32 v22, v21;
	v22 =	vmul.f32 v26, v23;
	v23 =	vperm.xlane v20, v11  }
0xdf: {  	v26 =	vld [tilespmem:s26+$0x40]  }
0xe0: {  	v21 =	vadd.f32 v22, v21;
	v22 =	vmul.f32 v25, v23;
	v25 =	vperm.xlane v20, v12  }
0xe1: {  	v23 =	vld [tilespmem:s26+$0x50]  }
0xe2: {  	v22 =	vadd.f32 v22, v21;
	v24 =	vmul.f32 v24, v25;
	v25 =	vperm.xlane v20, v13  }
0xe3: {  	v21 =	vld [tilespmem:s26+$0x60]  }
0xe4: {  	s29 =	simm.s32 $0x10;
	s28 =	simm.s32 $0x80;
	v24 =	vadd.f32 v24, v22;
	v25 =	vmul.f32 v26, v25;
	v26 =	vperm.xlane v20, v14;
	v22 =	vld [tilespmem:s26+$0x70]  }
.LBB2_7:
0xe5: {  	p3 =	sne.s32 s28, $0x240;
	v27 =	vld [tilespmem:s29+$0x13D80]  }
0xe6: {  	s26 =	sadd.s32 $0x100, s26;
	v24 =	vadd.f32 v25, v24;
	v23 =	vmul.f32 v23, v26;
	v25 =	vperm.xlane v20, v15  }
0xe7: {  	v26 =	vld [tilespmem:s26+$0xFFFFFF80]  }
0xe8: {  	v28 =	vperm.xlane v20, v16;
	v23 =	vadd.f32 v23, v24;
	v21 =	vmul.f32 v21, v25  }
0xe9: {  	v24 =	vld [tilespmem:s26+$0xFFFFFF90]  }
0xea: {  	v22 =	vmul.f32 v22, v28;
	v25 =	vperm.xlane v27, v1;
	v21 =	vadd.f32 v21, v23;
	v20 =	vmovc v27  }
0xeb: {  	v23 =	vld [tilespmem:s26+$0xFFFFFFA0]  }
0xec: {  	v25 =	vmul.f32 v26, v25;
	v26 =	vperm.xlane v20, v2;
	v21 =	vadd.f32 v22, v21  }
0xed: {  	v22 =	vld [tilespmem:s26+$0xFFFFFFB0]  }
0xee: {  	v21 =	vadd.f32 v25, v21;
	v24 =	vmul.f32 v24, v26;
	v25 =	vperm.xlane v20, v3  }
0xef: {  	v26 =	vld [tilespmem:s26+$0xFFFFFFC0]  }
0xf0: {  	v21 =	vadd.f32 v24, v21;
	v23 =	vmul.f32 v23, v25;
	v24 =	vperm.xlane v20, v4  }
0xf1: {  	v25 =	vld [tilespmem:s26+$0xFFFFFFD0]  }
0xf2: {  	v21 =	vadd.f32 v23, v21;
	v22 =	vmul.f32 v22, v24;
	v23 =	vperm.xlane v20, v5  }
0xf3: {  	v24 =	vld [tilespmem:s26+$0xFFFFFFE0]  }
0xf4: {  	v21 =	vadd.f32 v22, v21;
	v22 =	vmul.f32 v26, v23;
	v23 =	vperm.xlane v20, v6  }
0xf5: {  	v26 =	vld [tilespmem:s26+$0xFFFFFFF0]  }
0xf6: {  	v21 =	vadd.f32 v22, v21;
	v22 =	vmul.f32 v25, v23;
	v23 =	vperm.xlane v20, v7  }
0xf7: {  	v25 =	vld [tilespmem:s26+$0x0]  }
0xf8: {  	v21 =	vadd.f32 v22, v21;
	v22 =	vmul.f32 v24, v23;
	v23 =	vperm.xlane v20, v8  }
0xf9: {  	v24 =	vld [tilespmem:s26+$0x10]  }
0xfa: {  	v21 =	vadd.f32 v22, v21;
	v22 =	vmul.f32 v26, v23;
	v23 =	vperm.xlane v20, v9  }
0xfb: {  	v26 =	vld [tilespmem:s26+$0x20]  }
0xfc: {  	v21 =	vadd.f32 v22, v21;
	v22 =	vmul.f32 v25, v23;
	v23 =	vperm.xlane v20, v10  }
0xfd: {  	v25 =	vld [tilespmem:s26+$0x30]  }
0xfe: {  	v21 =	vadd.f32 v22, v21;
	v22 =	vmul.f32 v24, v23;
	v23 =	vperm.xlane v20, v11  }
0xff: {  	v27 =	vld [tilespmem:s26+$0x40]  }
.Ltmp6:
0x100: {  	v24 =	vperm.xlane v20, v12;
	v21 =	vadd.f32 v22, v21;
	v22 =	vmul.f32 v26, v23;
	(pc) =	sbr.rel @p3 .LBB2_7-.Ltmp6, $4  }
0x101: {  	v23 =	vld [tilespmem:s26+$0x50]  }
0x102: {  	v22 =	vadd.f32 v22, v21;
	v24 =	vmul.f32 v25, v24;
	v25 =	vperm.xlane v20, v13  }
0x103: {  	v21 =	vld [tilespmem:s26+$0x60]  }
0x104: {  	s29 =	sshra.s32 s28, $0x2;
	s28 =	sadd.s32 $0x40, s28;
	v26 =	vperm.xlane v20, v14;
	v24 =	vadd.f32 v24, v22;
	v25 =	vmul.f32 v27, v25;
	v22 =	vld [tilespmem:s26+$0x70]  }
0x105: {  	v27 =	vld [tilespmem:s29+$0x13D80]  }
0x106: {  	v52 =	vperm.xlane v20, v15;
	s26 =	sadd.s32 $0x100, s26;
	v24 =	vadd.f32 v25, v24;
	v23 =	vmul.f32 v23, v26  }
0x107: {  	v53 =	vld [tilespmem:s26+$0xFFFFFF80]  }
0x108: {  	v20 =	vperm.xlane v20, v16;
	v23 =	vadd.f32 v23, v24;
	v21 =	vmul.f32 v21, v52  }
0x109: {  	v54 =	vld [tilespmem:s26+$0xFFFFFF90]  }
0x10a: {  	v20 =	vmul.f32 v22, v20;
	v55 =	vperm.xlane v27, v1;
	v21 =	vadd.f32 v21, v23  }
0x10b: {  	v56 =	vld [tilespmem:s26+$0xFFFFFFA0]  }
0x10c: {  	v58 =	vperm.xlane v27, v2;
	v57 =	vmul.f32 v53, v55;
	v20 =	vadd.f32 v20, v21  }
0x10d: {  	v59 =	vld [tilespmem:s26+$0xFFFFFFB0]  }
0x10e: {  	v61 =	vperm.xlane v27, v3;
	v60 =	vmul.f32 v54, v58;
	v20 =	vadd.f32 v57, v20  }
0x10f: {  	v62 =	vld [tilespmem:s26+$0xFFFFFFC0]  }
0x110: {  	v63 =	vperm.xlane v27, v4;
	v22 =	vmul.f32 v56, v61;
	v20 =	vadd.f32 v60, v20  }
0x111: {  	v28 =	vld [tilespmem:s26+$0xFFFFFFD0]  }
0x112: {  	v29 =	vperm.xlane v27, v5;
	v21 =	vmul.f32 v59, v63;
	v20 =	vadd.f32 v22, v20  }
0x113: {  	v30 =	vld [tilespmem:s26+$0xFFFFFFE0]  }
0x114: {  	v32 =	vperm.xlane v27, v6;
	v31 =	vmul.f32 v62, v29;
	v20 =	vadd.f32 v21, v20  }
0x115: {  	v33 =	vld [tilespmem:s26+$0xFFFFFFF0]  }
0x116: {  	v35 =	vperm.xlane v27, v7;
	v34 =	vmul.f32 v28, v32;
	v20 =	vadd.f32 v31, v20  }
0x117: {  	v36 =	vld [tilespmem:s26+$0x0]  }
0x118: {  	v38 =	vperm.xlane v27, v8;
	v37 =	vmul.f32 v30, v35;
	v20 =	vadd.f32 v34, v20  }
0x119: {  	v39 =	vld [tilespmem:s26+$0x10]  }
0x11a: {  	v41 =	vperm.xlane v27, v9;
	v40 =	vmul.f32 v33, v38;
	v20 =	vadd.f32 v37, v20  }
0x11b: {  	v42 =	vld [tilespmem:s26+$0x20]  }
0x11c: {  	v44 =	vperm.xlane v27, v10;
	v43 =	vmul.f32 v36, v41;
	v20 =	vadd.f32 v40, v20  }
0x11d: {  	v45 =	vld [tilespmem:s26+$0x30]  }
0x11e: {  	v47 =	vperm.xlane v27, v11;
	v46 =	vmul.f32 v39, v44;
	v20 =	vadd.f32 v43, v20  }
0x11f: {  	v48 =	vld [tilespmem:s26+$0x40]  }
0x120: {  	v50 =	vperm.xlane v27, v12;
	v49 =	vmul.f32 v42, v47;
	v20 =	vadd.f32 v46, v20  }
0x121: {  	v51 =	vld [tilespmem:s26+$0x50]  }
0x122: {  	v52 =	vmul.f32 v45, v50;
	v53 =	vperm.xlane v27, v13;
	v20 =	vadd.f32 v49, v20  }
0x123: {  	v54 =	vld [tilespmem:s26+$0x60]  }
0x124: {  	v56 =	vperm.xlane v27, v14;
	v55 =	vmul.f32 v48, v53;
	v20 =	vadd.f32 v52, v20  }
0x125: {  	v57 =	vld [tilespmem:s26+$0x70]  }
0x126: {  	v59 =	vperm.xlane v27, v15;
	v58 =	vmul.f32 v51, v56;
	v20 =	vadd.f32 v55, v20;
	_ =	sdelay $0x1  }
0x127: {  	v61 =	vperm.xlane v27, v16;
	v60 =	vmul.f32 v54, v59;
	v20 =	vadd.f32 v58, v20  }
0x128: {  	v62 =	vld [tilespmem:s5+$0x11F00]  }
0x129: {  	v63 =	vmul.f32 v57, v61;
	v20 =	vadd.f32 v60, v20;
	_ =	sdelay $0x1  }
0x12a: {  	v20 =	vadd.f32 v63, v20;
	_ =	sdelay $0x1  }
0x12b: {  	v20 =	vadd.f32 v62, v20;
	_ =	sdelay $0x1  }
0x12c: {  	v20 =	vmax.f32 v20, $0.0e+00  }
0x12d: {  	[tilespmem:$0x13F80] =	vst v20  }
0x12e: {  	[spmem:s6] =	stream.linear.scatter [tilespmem:s16], [sflag:$0x1], $0x10, $0x38;
	[tilespmem:$0x15808] =	vst v63  }
0x12f: {  	_ =	swait.ge [sflag:s15], $0x10  }
0x130: {  	[sflag:s15] =	ssyncset.done $0x0  }
0x131: {  	[sflag:s15] =	ssyncadd.s32 $0xFFFFFFF0  }
.LBB2_9:
0x132: {  	[bflag:$0x0] =	sbarrier.arrive $0xFFFF;
	s26 =	simm.s32 $0x13F00  }
0x133: {  	[tilespmem:s26], [sflag:$0x1] =	stream.linear.gather [spmem:s2], $0x80, $0x38;
	[tilespmem:$0x15808] =	vst v63  }
0x134: {  	_ =	swait.ge [sflag:s15], $0x80  }
0x135: {  	[sflag:s15] =	ssyncset.done $0x0  }
0x136: {  	[sflag:s15] =	ssyncadd.s32 $0xFFFFFF80  }
0x137: {  	s28 =	sadd.f32 s24, s21;
	v20 =	vld [tilespmem:$0x13F00];
	_ =	sdelay $0x1  }
0x138: {  	p3 =	sgt.f32 s28, $1.000000000e+00;
	s28 =	ssub.f32 $1.000000000e+00, s21;
	v21 =	vld [tilespmem:s25+$0x8000]  }
0x139: {  	_ = 	snop  }
0x13a: {  	s24 =	smov.u32 @p3 s28  }
0x13b: {  	v22 =	vmul.f32 s24, v20;
	_ =	sdelay $0x1  }
0x13c: {  	v21 =	vadd.f32 v21, v22  }
0x13d: {  	[tilespmem:s25+$0x0] =	vst v20  }
0x13e: {  	[tilespmem:s25+$0x8000] =	vst v21  }
0x13f: {  	v20 =	vld [tilespmem:$0x13F10]  }
0x140: {  	s31 =	sor.u32 $0x10, s25  }
0x141: {  	v21 =	vld [tilespmem:s31+$0x8000];
	_ =	sdelay $0x2  }
0x142: {  	v22 =	vmul.f32 s24, v20;
	_ =	sdelay $0x1  }
0x143: {  	v21 =	vadd.f32 v21, v22  }
0x144: {  	[tilespmem:s31+$0x0] =	vst v20  }
0x145: {  	[tilespmem:s31+$0x8000] =	vst v21  }
0x146: {  	v20 =	vld [tilespmem:$0x13F20]  }
0x147: {  	s29 =	sor.u32 $0x20, s25  }
0x148: {  	v21 =	vld [tilespmem:s29+$0x8000];
	_ =	sdelay $0x2  }
0x149: {  	v22 =	vmul.f32 s24, v20;
	_ =	sdelay $0x1  }
0x14a: {  	v21 =	vadd.f32 v21, v22  }
0x14b: {  	[tilespmem:s29+$0x0] =	vst v20  }
0x14c: {  	[tilespmem:s29+$0x8000] =	vst v21  }
0x14d: {  	v20 =	vld [tilespmem:$0x13F30]  }
0x14e: {  	s30 =	sor.u32 $0x30, s25  }
0x14f: {  	v21 =	vld [tilespmem:s30+$0x8000];
	_ =	sdelay $0x2  }
0x150: {  	v22 =	vmul.f32 s24, v20;
	_ =	sdelay $0x1  }
0x151: {  	v21 =	vadd.f32 v21, v22  }
0x152: {  	[tilespmem:s30+$0x0] =	vst v20  }
0x153: {  	[tilespmem:s30+$0x8000] =	vst v21  }
0x154: {  	v20 =	vld [tilespmem:$0x13F40]  }
0x155: {  	s31 =	sor.u32 $0x40, s25  }
0x156: {  	v21 =	vld [tilespmem:s31+$0x8000];
	_ =	sdelay $0x2  }
0x157: {  	v22 =	vmul.f32 s24, v20;
	_ =	sdelay $0x1  }
0x158: {  	v21 =	vadd.f32 v21, v22  }
0x159: {  	[tilespmem:s31+$0x0] =	vst v20  }
0x15a: {  	[tilespmem:s31+$0x8000] =	vst v21  }
0x15b: {  	v20 =	vld [tilespmem:$0x13F50]  }
0x15c: {  	s29 =	sor.u32 $0x50, s25  }
0x15d: {  	v21 =	vld [tilespmem:s29+$0x8000];
	_ =	sdelay $0x2  }
0x15e: {  	v22 =	vmul.f32 s24, v20;
	_ =	sdelay $0x1  }
0x15f: {  	v21 =	vadd.f32 v21, v22  }
0x160: {  	[tilespmem:s29+$0x0] =	vst v20  }
0x161: {  	[tilespmem:s29+$0x8000] =	vst v21  }
0x162: {  	v20 =	vld [tilespmem:$0x13F60]  }
0x163: {  	s30 =	sor.u32 $0x60, s25  }
0x164: {  	v21 =	vld [tilespmem:s30+$0x8000];
	_ =	sdelay $0x2  }
0x165: {  	v22 =	vmul.f32 s24, v20;
	_ =	sdelay $0x1  }
0x166: {  	v21 =	vadd.f32 v21, v22  }
0x167: {  	[tilespmem:s30+$0x0] =	vst v20  }
0x168: {  	[tilespmem:s30+$0x8000] =	vst v21  }
0x169: {  	v20 =	vld [tilespmem:$0x13F70]  }
0x16a: {  	s31 =	sor.u32 $0x70, s25  }
0x16b: {  	v21 =	vld [tilespmem:s31+$0x8000];
	_ =	sdelay $0x2  }
.Ltmp7:
0x16c: {  	v22 =	vmul.f32 s24, v20;
	(pc) =	sbr.rel @p2 .LBB2_15-.Ltmp7, $4  }
0x16d: {  	_ = 	snop  }
0x16e: {  	v21 =	vadd.f32 v21, v22  }
0x16f: {  	[tilespmem:s31+$0x0] =	vst v20  }
0x170: {  	s25 =	simm.s32 $0x0;
	[tilespmem:s31+$0x8000] =	vst v21;
	v21 =	vimm.f32 $0.0e+00  }
0x171: {  	_ =	sdelay $0x1  }
0x172: {  	v20 =	vld [tilespmem:s26+$0x0]  }
0x173: {  	s31 =	simm.s32 $0x0  }
0x174: {  	v22 =	vld.idx.msk [tilespmem:v17+s31+$0xFFFFFF00 ss:$0x1], $0xffff;
	_ =	sdelay $0x1  }
0x175: {  	v23 =	vld.idx.msk [tilespmem:v17+s31+$0xFFFFFF20 ss:$0x1], $0xffff  }
0x176: {  	v24 =	vperm.xlane v20, v1  }
0x177: {  	v25 =	vld.idx.msk [tilespmem:v17+s31+$0xFFFFFF40 ss:$0x1], $0xffff  }
0x178: {  	v22 =	vmul.f32 v22, v24;
	v24 =	vperm.xlane v20, v2  }
0x179: {  	v26 =	vld.idx.msk [tilespmem:v17+s31+$0xFFFFFF60 ss:$0x1], $0xffff  }
0x17a: {  	v21 =	vadd.f32 v22, v21;
	v22 =	vmul.f32 v23, v24;
	v23 =	vperm.xlane v20, v3  }
0x17b: {  	v24 =	vld.idx.msk [tilespmem:v18+s31+$0xFFFFFF40 ss:$0x1], $0xffff  }
0x17c: {  	v21 =	vadd.f32 v22, v21;
	v22 =	vmul.f32 v25, v23;
	v23 =	vperm.xlane v20, v4  }
0x17d: {  	v25 =	vld.idx.msk [tilespmem:v18+s31+$0xFFFFFF60 ss:$0x1], $0xffff  }
0x17e: {  	v21 =	vadd.f32 v22, v21;
	v22 =	vmul.f32 v26, v23;
	v23 =	vperm.xlane v20, v5  }
0x17f: {  	v26 =	vld.idx.msk [tilespmem:v18+s31+$0xFFFFFF80 ss:$0x1], $0xffff  }
0x180: {  	v21 =	vadd.f32 v22, v21;
	v22 =	vmul.f32 v24, v23;
	v23 =	vperm.xlane v20, v6  }
0x181: {  	v24 =	vld.idx.msk [tilespmem:v18+s31+$0xFFFFFFA0 ss:$0x1], $0xffff  }
0x182: {  	v21 =	vadd.f32 v22, v21;
	v22 =	vmul.f32 v25, v23;
	v23 =	vperm.xlane v20, v7  }
0x183: {  	v25 =	vld.idx.msk [tilespmem:v17+s31+$0x0 ss:$0x1], $0xffff  }
0x184: {  	v21 =	vadd.f32 v22, v21;
	v22 =	vmul.f32 v26, v23;
	v23 =	vperm.xlane v20, v8  }
0x185: {  	v26 =	vld.idx.msk [tilespmem:v18+s31+$0xFFFFFFE0 ss:$0x1], $0xffff  }
0x186: {  	v21 =	vadd.f32 v22, v21;
	v22 =	vmul.f32 v24, v23;
	v23 =	vperm.xlane v20, v9  }
0x187: {  	v24 =	vld.idx.msk [tilespmem:v18+s31+$0x0 ss:$0x1], $0xffff  }
0x188: {  	v21 =	vadd.f32 v22, v21;
	v22 =	vmul.f32 v25, v23;
	v23 =	vperm.xlane v20, v10  }
0x189: {  	v25 =	vld.idx.msk [tilespmem:v18+s31+$0x20 ss:$0x1], $0xffff  }
0x18a: {  	v21 =	vadd.f32 v22, v21;
	v22 =	vmul.f32 v26, v23;
	v23 =	vperm.xlane v20, v11  }
0x18b: {  	v26 =	vld.idx.msk [tilespmem:v19+s31+$0x0 ss:$0x1], $0xffff  }
0x18c: {  	v21 =	vadd.f32 v22, v21;
	v22 =	vmul.f32 v24, v23;
	v24 =	vperm.xlane v20, v12  }
0x18d: {  	v23 =	vld.idx.msk [tilespmem:v18+s31+$0x60 ss:$0x1], $0xffff  }
0x18e: {  	v27 =	vperm.xlane v20, v13;
	v21 =	vadd.f32 v22, v21;
	v25 =	vmul.f32 v25, v24  }
0x18f: {  	v24 =	vld.idx.msk [tilespmem:v18+s31+$0x80 ss:$0x1], $0xffff  }
0x190: {  	s28 =	simm.s32 $0x13F10;
	v22 =	vld.idx.msk [tilespmem:v18+s31+$0xA0 ss:$0x1], $0xffff;
	v26 =	vmul.f32 v26, v27;
	v27 =	vperm.xlane v20, v14;
	v25 =	vadd.f32 v25, v21  }
0x191: {  	s26 =	simm.s32 $0x200;
	s29 =	simm.s32 $0x1000;
	v21 =	vld [tilespmem:s28+$0x0]  }
.LBB2_11:
0x192: {  	p3 =	sne.s32 s29, $0x3800;
	v28 =	vld.idx.msk [tilespmem:v17+s26+$0xFFFFFF00 ss:$0x1], $0xffff;
	v25 =	vadd.f32 v26, v25;
	v23 =	vmul.f32 v23, v27;
	v26 =	vperm.xlane v20, v15;
	_ =	sdelay $0x1  }
0x193: {  	v29 =	vperm.xlane v20, v16;
	v27 =	vld.idx.msk [tilespmem:v17+s26+$0xFFFFFF20 ss:$0x1], $0xffff;
	v23 =	vadd.f32 v23, v25;
	v24 =	vmul.f32 v24, v26;
	_ =	sdelay $0x1  }
0x194: {  	v22 =	vmul.f32 v22, v29;
	v25 =	vperm.xlane v21, v1;
	v26 =	vld.idx.msk [tilespmem:v17+s26+$0xFFFFFF40 ss:$0x1], $0xffff;
	v23 =	vadd.f32 v24, v23  }
0x195: {  	v20 =	vmov v21  }
0x196: {  	v24 =	vperm.xlane v20, v2;
	v21 =	vmul.f32 v28, v25;
	v25 =	vld.idx.msk [tilespmem:v17+s26+$0xFFFFFF60 ss:$0x1], $0xffff;
	v22 =	vadd.f32 v22, v23;
	_ =	sdelay $0x1  }
0x197: {  	v23 =	vperm.xlane v20, v3;
	v21 =	vadd.f32 v21, v22;
	v22 =	vmul.f32 v27, v24;
	v24 =	vld.idx.msk [tilespmem:v18+s26+$0xFFFFFF40 ss:$0x1], $0xffff;
	_ =	sdelay $0x1  }
0x198: {  	v21 =	vadd.f32 v22, v21;
	v22 =	vmul.f32 v26, v23;
	v23 =	vperm.xlane v20, v4;
	v26 =	vld.idx.msk [tilespmem:v18+s26+$0xFFFFFF60 ss:$0x1], $0xffff;
	_ =	sdelay $0x1  }
0x199: {  	v21 =	vadd.f32 v22, v21;
	v22 =	vmul.f32 v25, v23;
	v23 =	vperm.xlane v20, v5;
	v25 =	vld.idx.msk [tilespmem:v18+s26+$0xFFFFFF80 ss:$0x1], $0xffff;
	_ =	sdelay $0x1  }
0x19a: {  	v21 =	vadd.f32 v22, v21;
	v22 =	vmul.f32 v24, v23;
	v23 =	vperm.xlane v20, v6;
	v24 =	vld.idx.msk [tilespmem:v18+s26+$0xFFFFFFA0 ss:$0x1], $0xffff;
	_ =	sdelay $0x1  }
0x19b: {  	v21 =	vadd.f32 v22, v21;
	v22 =	vmul.f32 v26, v23;
	v23 =	vperm.xlane v20, v7;
	v26 =	vld.idx.msk [tilespmem:v17+s26+$0x0 ss:$0x1], $0xffff;
	_ =	sdelay $0x1  }
0x19c: {  	v21 =	vadd.f32 v22, v21;
	v22 =	vmul.f32 v25, v23;
	v23 =	vperm.xlane v20, v8;
	v25 =	vld.idx.msk [tilespmem:v18+s26+$0xFFFFFFE0 ss:$0x1], $0xffff;
	_ =	sdelay $0x1  }
0x19d: {  	v21 =	vadd.f32 v22, v21;
	v22 =	vmul.f32 v24, v23;
	v23 =	vperm.xlane v20, v9;
	v24 =	vld.idx.msk [tilespmem:v18+s26+$0x0 ss:$0x1], $0xffff;
	_ =	sdelay $0x1  }
0x19e: {  	v21 =	vadd.f32 v22, v21;
	v22 =	vmul.f32 v26, v23;
	v23 =	vperm.xlane v20, v10;
	v26 =	vld.idx.msk [tilespmem:v18+s26+$0x20 ss:$0x1], $0xffff;
	_ =	sdelay $0x1  }
0x19f: {  	v21 =	vadd.f32 v22, v21;
	v22 =	vmul.f32 v25, v23;
	v23 =	vperm.xlane v20, v11;
	v27 =	vld.idx.msk [tilespmem:v19+s26+$0x0 ss:$0x1], $0xffff;
	_ =	sdelay $0x1  }
0x1a0: {  	v21 =	vadd.f32 v22, v21;
	v22 =	vmul.f32 v24, v23;
	v24 =	vperm.xlane v20, v12;
	v23 =	vld.idx.msk [tilespmem:v18+s26+$0x60 ss:$0x1], $0xffff  }
.Ltmp8:
0x1a1: {  	(pc) =	sbr.rel @p3 .LBB2_11-.Ltmp8, $3  }
0x1a2: {  	v21 =	vadd.f32 v22, v21;
	v22 =	vmul.f32 v26, v24;
	v26 =	vperm.xlane v20, v13;
	v24 =	vld.idx.msk [tilespmem:v18+s26+$0x80 ss:$0x1], $0xffff;
	_ =	sdelay $0x1  }
0x1a3: {  	s28 =	sadd.s32 $0x10, s28;
	v25 =	vadd.f32 v22, v21;
	v26 =	vmul.f32 v27, v26;
	v27 =	vperm.xlane v20, v14;
	v22 =	vld.idx.msk [tilespmem:v18+s26+$0xA0 ss:$0x1], $0xffff  }
0x1a4: {  	s26 =	sshra.s32 s29, $0x2;
	s29 =	sadd.s32 $0x800, s29;
	v21 =	vld [tilespmem:s28+$0x0]  }
0x1a5: {  	_ =	sdelay $0x2  }
0x1a6: {  	v25 =	vadd.f32 v26, v25;
	v23 =	vmul.f32 v23, v27;
	v43 =	vperm.xlane v20, v15  }
0x1a7: {  	v44 =	vld.idx.msk [tilespmem:v17+s26+$0xFFFFFF00 ss:$0x1], $0xffff  }
0x1a8: {  	v20 =	vperm.xlane v20, v16;
	v23 =	vadd.f32 v23, v25;
	v24 =	vmul.f32 v24, v43  }
0x1a9: {  	v45 =	vld.idx.msk [tilespmem:v17+s26+$0xFFFFFF20 ss:$0x1], $0xffff  }
0x1aa: {  	v20 =	vmul.f32 v22, v20;
	v46 =	vperm.xlane v21, v1;
	v23 =	vadd.f32 v24, v23  }
0x1ab: {  	v22 =	vld.idx.msk [tilespmem:v17+s26+$0xFFFFFF40 ss:$0x1], $0xffff  }
0x1ac: {  	v48 =	vperm.xlane v21, v2;
	v47 =	vmul.f32 v44, v46;
	v20 =	vadd.f32 v20, v23  }
0x1ad: {  	v23 =	vld.idx.msk [tilespmem:v17+s26+$0xFFFFFF60 ss:$0x1], $0xffff  }
0x1ae: {  	v50 =	vperm.xlane v21, v3;
	v49 =	vmul.f32 v45, v48;
	v20 =	vadd.f32 v47, v20  }
0x1af: {  	v51 =	vld.idx.msk [tilespmem:v18+s26+$0xFFFFFF40 ss:$0x1], $0xffff  }
0x1b0: {  	v52 =	vperm.xlane v21, v4;
	v22 =	vmul.f32 v22, v50;
	v20 =	vadd.f32 v49, v20  }
0x1b1: {  	v53 =	vld.idx.msk [tilespmem:v18+s26+$0xFFFFFF60 ss:$0x1], $0xffff  }
0x1b2: {  	v20 =	vadd.f32 v22, v20;
	v22 =	vmul.f32 v23, v52;
	v23 =	vperm.xlane v21, v5  }
0x1b3: {  	v54 =	vld.idx.msk [tilespmem:v18+s26+$0xFFFFFF80 ss:$0x1], $0xffff  }
0x1b4: {  	v20 =	vadd.f32 v22, v20;
	v22 =	vmul.f32 v51, v23;
	v23 =	vperm.xlane v21, v6  }
0x1b5: {  	v55 =	vld.idx.msk [tilespmem:v18+s26+$0xFFFFFFA0 ss:$0x1], $0xffff  }
0x1b6: {  	v20 =	vadd.f32 v22, v20;
	v22 =	vmul.f32 v53, v23;
	v23 =	vperm.xlane v21, v7  }
0x1b7: {  	v56 =	vld.idx.msk [tilespmem:v17+s26+$0x0 ss:$0x1], $0xffff  }
0x1b8: {  	v20 =	vadd.f32 v22, v20;
	v22 =	vmul.f32 v54, v23;
	v23 =	vperm.xlane v21, v8  }
0x1b9: {  	v57 =	vld.idx.msk [tilespmem:v18+s26+$0xFFFFFFE0 ss:$0x1], $0xffff  }
0x1ba: {  	v20 =	vadd.f32 v22, v20;
	v22 =	vmul.f32 v55, v23;
	v23 =	vperm.xlane v21, v9  }
0x1bb: {  	v58 =	vld.idx.msk [tilespmem:v18+s26+$0x0 ss:$0x1], $0xffff  }
0x1bc: {  	v20 =	vadd.f32 v22, v20;
	v22 =	vmul.f32 v56, v23;
	v23 =	vperm.xlane v21, v10  }
0x1bd: {  	v59 =	vld.idx.msk [tilespmem:v18+s26+$0x20 ss:$0x1], $0xffff  }
0x1be: {  	v20 =	vadd.f32 v22, v20;
	v22 =	vmul.f32 v57, v23;
	v23 =	vperm.xlane v21, v11  }
0x1bf: {  	v60 =	vld.idx.msk [tilespmem:v19+s26+$0x0 ss:$0x1], $0xffff  }
0x1c0: {  	v20 =	vadd.f32 v22, v20;
	v22 =	vmul.f32 v58, v23;
	v23 =	vperm.xlane v21, v12  }
0x1c1: {  	v61 =	vld.idx.msk [tilespmem:v18+s26+$0x60 ss:$0x1], $0xffff  }
0x1c2: {  	v20 =	vadd.f32 v22, v20;
	v22 =	vmul.f32 v59, v23;
	v23 =	vperm.xlane v21, v13  }
0x1c3: {  	v62 =	vld.idx.msk [tilespmem:v18+s26+$0x80 ss:$0x1], $0xffff  }
0x1c4: {  	v20 =	vadd.f32 v22, v20;
	v22 =	vmul.f32 v60, v23;
	v23 =	vperm.xlane v21, v14  }
0x1c5: {  	v63 =	vld.idx.msk [tilespmem:v18+s26+$0xA0 ss:$0x1], $0xffff  }
0x1c6: {  	v20 =	vadd.f32 v22, v20;
	v22 =	vmul.f32 v61, v23;
	v23 =	vperm.xlane v21, v15;
	_ =	sdelay $0x1  }
0x1c7: {  	v21 =	vperm.xlane v21, v16;
	v20 =	vadd.f32 v22, v20;
	v22 =	vmul.f32 v62, v23;
	_ =	sdelay $0x1  }
0x1c8: {  	v21 =	vmul.f32 v63, v21;
	v20 =	vadd.f32 v22, v20;
	_ =	sdelay $0x1  }
0x1c9: {  	p3 =	por $0x1, $0x1;
	v20 =	vadd.f32 v21, v20  }
.LBB2_13:
0x1ca: {  	s26 =	sshll.u32 s25, $0x4  }
0x1cb: {  	s31 =	sshll.u32 s25, $0x9;
	s26 =	sand.u32 $0x3FFFFFF0, s26  }
0x1cc: {  	s25 =	sand.u32 $0x3FFFFE00, s31;
	v21 =	vld [tilespmem:s26+$0x13E00]  }
0x1cd: {  	s25 =	sor.u32 s8, s25  }
0x1ce: {  	v22 =	vld [tilespmem:s25+$0x11A00];
	_ =	sdelay $0x1  }
0x1cf: {  	v23 =	vld [tilespmem:s25+$0x11A20]  }
0x1d0: {  	v24 =	vperm.xlane v21, v1  }
0x1d1: {  	v25 =	vld [tilespmem:s25+$0x11A40]  }
0x1d2: {  	v51 =	vperm.xlane v21, v2;
	v22 =	vmul.f32 v22, v24  }
0x1d3: {  	v26 =	vld [tilespmem:s25+$0x11A60]  }
0x1d4: {  	v20 =	vadd.f32 v22, v20;
	v22 =	vmul.f32 v23, v51;
	v23 =	vperm.xlane v21, v3  }
0x1d5: {  	v52 =	vld [tilespmem:s25+$0x11A80]  }
0x1d6: {  	v20 =	vadd.f32 v22, v20;
	v22 =	vmul.f32 v25, v23;
	v23 =	vperm.xlane v21, v4  }
0x1d7: {  	v53 =	vld [tilespmem:s25+$0x11AA0]  }
0x1d8: {  	v20 =	vadd.f32 v22, v20;
	v22 =	vmul.f32 v26, v23;
	v23 =	vperm.xlane v21, v5  }
0x1d9: {  	v54 =	vld [tilespmem:s25+$0x11AC0]  }
0x1da: {  	v20 =	vadd.f32 v22, v20;
	v22 =	vmul.f32 v52, v23;
	v23 =	vperm.xlane v21, v6  }
0x1db: {  	v55 =	vld [tilespmem:s25+$0x11AE0]  }
0x1dc: {  	v20 =	vadd.f32 v22, v20;
	v22 =	vmul.f32 v53, v23;
	v23 =	vperm.xlane v21, v7  }
0x1dd: {  	v56 =	vld [tilespmem:s25+$0x11B00]  }
0x1de: {  	v20 =	vadd.f32 v22, v20;
	v22 =	vmul.f32 v54, v23;
	v23 =	vperm.xlane v21, v8  }
0x1df: {  	v57 =	vld [tilespmem:s25+$0x11B20]  }
0x1e0: {  	v20 =	vadd.f32 v22, v20;
	v22 =	vmul.f32 v55, v23;
	v23 =	vperm.xlane v21, v9  }
0x1e1: {  	v58 =	vld [tilespmem:s25+$0x11B40]  }
0x1e2: {  	v20 =	vadd.f32 v22, v20;
	v22 =	vmul.f32 v56, v23;
	v23 =	vperm.xlane v21, v10  }
0x1e3: {  	v59 =	vld [tilespmem:s25+$0x11B60]  }
0x1e4: {  	v20 =	vadd.f32 v22, v20;
	v22 =	vmul.f32 v57, v23;
	v23 =	vperm.xlane v21, v11  }
0x1e5: {  	v60 =	vld [tilespmem:s25+$0x11B80]  }
0x1e6: {  	v20 =	vadd.f32 v22, v20;
	v22 =	vmul.f32 v58, v23;
	v23 =	vperm.xlane v21, v12  }
0x1e7: {  	v61 =	vld [tilespmem:s25+$0x11BA0]  }
0x1e8: {  	v20 =	vadd.f32 v22, v20;
	v22 =	vmul.f32 v59, v23;
	v23 =	vperm.xlane v21, v13  }
0x1e9: {  	v62 =	vld [tilespmem:s25+$0x11BC0]  }
0x1ea: {  	v20 =	vadd.f32 v22, v20;
	v22 =	vmul.f32 v60, v23;
	v23 =	vperm.xlane v21, v14  }
0x1eb: {  	v63 =	vld [tilespmem:s25+$0x11BE0]  }
0x1ec: {  	v20 =	vadd.f32 v22, v20;
	v22 =	vmul.f32 v61, v23;
	v23 =	vperm.xlane v21, v15  }
0x1ed: {  	p4 =	por p3, p3  }
.Ltmp9:
0x1ee: {  	v21 =	vperm.xlane v21, v16;
	v20 =	vadd.f32 v22, v20;
	v22 =	vmul.f32 v62, v23;
	(pc) =	sbr.rel @p4 .LBB2_13-.Ltmp9, $3  }
0x1ef: {  	_ = 	snop  }
0x1f0: {  	v21 =	vmul.f32 v63, v21;
	v20 =	vadd.f32 v22, v20;
	_ =	sdelay $0x1  }
0x1f1: {  	p3 =	por $0x0, $0x0;
	s25 =	simm.s32 $0x1;
	v20 =	vadd.f32 v21, v20  }
0x1f2: {  	v21 =	vld [tilespmem:s7+$0x11F80];
	_ =	sdelay $0x4  }
0x1f3: {  	s25 =	sshll.u32 s12, $0x9;
	v20 =	vadd.f32 v21, v20  }
0x1f4: {  	s25 =	sshra.s32 s25, $0x2  }
0x1f5: {  	s25 =	sadd.s32 s25, s9;
	[tilespmem:$0x13F80] =	vst v20  }
0x1f6: {  	[spmem:s25] =	stream.linear.scatter [tilespmem:s16], [sflag:$0x1], $0x10, $0x38;
	[tilespmem:$0x15808] =	vst v63  }
0x1f7: {  	_ =	swait.ge [sflag:s15], $0x10  }
0x1f8: {  	[sflag:s15] =	ssyncset.done $0x0  }
0x1f9: {  	[sflag:s15] =	ssyncadd.s32 $0xFFFFFFF0  }
.LBB2_15:
0x1fa: {  	s23 =	ssub.s32 s23, s20;
	p3 =	sgt.s32 s10, $0x9FF  }
0x1fb: {  	s25 =	sadd.s32 @!p3 $0xF, s23  }
0x1fc: {  	s26 =	sand.u32 @!p3 $0xF, s25  }
0x1fd: {  	p5 =	slt.s32 @!p3 s25, $0x1;
	p4 =	sne.s32 @!p3 s26, $0x0  }
0x1fe: {  	v20 =	vmov s22;
	s22 =	sshra.s32 @!p3 s25, $0x1F;
	p4 =	por @!p3 !p5, !p4  }
0x1ff: {  	s22 =	sshrl.u32 @!p3 s22, $0x1C;
	p4 =	por @!p3 !p4, !p4  }
0x200: {  	s22 =	sadd.s32 @!p3 s22, s25;
	s25 =	simm.s32 @!p3 $0x1;
	p4 =	por !p4, p3  }
0x201: {  	s22 =	sshra.s32 @!p3 s22, $0x4;
	s25 =	simm.s32 @p4 $0x0  }
0x202: {  	s24 =	sadd.f32 s24, s21;
	s21 =	ssub.s32 @!p3 s22, s25  }
0x203: {  	v20 =	vbroadcast v20, $0x0;
	p4 =	slt.s32 @!p3 s21, $0x1  }
0x204: {  	p4 =	por p3, p4  }
.Ltmp10:
0x205: {  	_ = 	snop;
	(pc) =	sbr.rel @p4 .LBB2_22-.Ltmp10, $3  }
0x206: {  	_ =	sdelay $0x1  }
0x207: {  	v21 =	vmov s24  }
0x208: {  	[tilespmem:v20+s13+$0x0] =	vst.idx.msk $0x1, v21  }
0x209: {  	p4 =	sne.s32 s21, $0x1  }
.Ltmp11:
0x20a: {  	s22 =	sadd.s32 $0x12000, s20;
	(pc) =	sbr.rel @!p4 .LBB2_17-.Ltmp11, $3  }
0x20b: {  	v21 =	vld [tilespmem:s22+$0x0];
	_ =	sdelay $0x1  }
0x20c: {  	s24 =	sshll.u32 @!p3 s12, $0x10  }
0x20d: {  	s20 =	sadd.s32 $0x13200, s10;
	s21 =	sadd.s32 $0xFFFFFFFF, s21;
	v20 =	vmov @!p3 s24;
	p3 =	por $0x0, $0x0  }
0x20e: {  	_ = 	snop  }
0x20f: {  	p4 =	sne.s32 s21, $0x1;
	v21 =	vor.u32 v20, v21  }
.Ltmp12:
0x210: {  	s22 =	sadd.s32 $0x10, s22;
	[tilespmem:s20+$0x0] =	vst v21;
	(pc) =	sbr.rel @!p4 .LBB2_19-.Ltmp12, $2  }
0x211: {  	v21 =	vld [tilespmem:s22+$0x0];
	_ =	sdelay $0x2  }
0x212: {  	s24 =	sadd.s32 $0xFFFFFFFF, s21;
	p3 =	por $0x1, $0x1;
	s21 =	smov.u32 s20  }
.LBB2_20:
0x213: {  	p4 =	sne.s32 s24, $0x1;
	_ =	sdelay $0x1  }
.Ltmp13:
0x214: {  	(pc) =	sbr.rel @p4 .LBB2_20-.Ltmp13, $4  }
0x215: {  	_ = 	snop  }
0x216: {  	v21 =	vor.u32 v20, v21;
	s21 =	sadd.s32 $0x10, s21  }
0x217: {  	s22 =	sadd.s32 $0x10, s22;
	[tilespmem:s21+$0x0] =	vst v21  }
0x218: {  	s24 =	sadd.s32 $0xFFFFFFFF, s24;
	v21 =	vld [tilespmem:s22+$0x0]  }
.Ltmp14:
0x219: {  	_ = 	snop;
	(pc) =	sbr.rel .LBB2_21-.Ltmp14, $1  }
0x21a: {  	_ =	sdelay $0x3  }
.LBB2_19:
.Ltmp15:
0x21b: {  	(pc) =	sbr.rel .LBB2_21-.Ltmp15, $2  }
0x21c: {  	_ =	sdelay $0x2  }
0x21d: {  	s21 =	smov.u32 s20  }
.LBB2_24:
0x21e: {  	s1 =	simm.s32 @p1 $0x0;
	s2 =	simm.s32 @p1 $0x8000  }
0x21f: {  	[hbm4b:s4+s1] =	stream.linear.scatter @p1 [tilespmem:s2], [sflag:$0x1], $0x8000, $0x38;
	[tilespmem:$0x15808] =	vst v63  }
0x220: {  	s1 =	simm.s32 @p1 $0x1  }
0x221: {  	_ =	swait.ge @p1 [sflag:s1], $0x8000  }
0x222: {  	[sflag:s1] =	ssyncset.done @p1 $0x0  }
0x223: {  	[sflag:s1] =	ssyncadd.s32 @p1 $0xFFFF8000  }
0x224: {  	_ =	sfence.sel $0x180000  }
0x225: {  	[bflag:$0x0] =	sbarrier.arrive $0xFFFF  }
0x226: {  	p0 =	sne.s32 s3, $0x0;
	_ =	strace $0x90000047  }
0x227: {  	s0 =	sadd.s32 @!p0 $0x100000, s0;
	[bflag:$0x2] =	sbarrier.arrive $0xFFFF  }
0x228: {  	[sflag:s0] =	ssyncadd.tile.s32 @!p0 $0x1;
	_ =	shalt  }
.Lfunc_end2:
_tile_overlayer_lowered:
.L_overlay_start_2:
0x229: {  	(tag) =	ssettag $0x2  }
0x22a: {  	s0 =	rddreg [dreg:$0x0];
	s2 =	stileid.u32  }
0x22b: {  	s1 =	rddreg [dreg:$0x1];
	p0 =	sne.s32 s2, $0x0  }
0x22c: {  	s3 =	rddreg [dreg:$0x2];
	[bflag:$0x3] =	sbarrier.arrive $0xFFFF;
	s2 =	simm.s32 @!p0 $0x1C01  }
0x22d: {  	[timem:s3], [sflag:s2] =	dma.local @!p0 [hbm:s0], s1  }
0x22e: {  	s0 =	simm.s32 @!p0 $0x1  }
0x22f: {  	_ =	swait.ge @!p0 [sflag:s0], s1  }
0x230: {  	s1 =	ssub.s32 @!p0 $0x0, s1;
	[sflag:s0] =	ssyncset.done @!p0 $0x0  }
0x231: {  	[sflag:s0] =	ssyncadd.s32 @!p0 s1  }
0x232: {  	[bflag:$0x3] =	sbarrier.arrive $0xFFFF  }
0x233: {  	_ =	shalt  }

</sc_bundles>
